<compile_context>
chip_gen: v7x
topology: tpu7x:2x2x1
jax: 0.10.2.dev20260603
libtpu: 0.0.44.dev20260713+nightly
codegen_flags: <defaults>
</compile_context>

<pallas_src>
import functools

import jax
import jax.numpy as jnp
from jax import lax
from jax.experimental import pallas as pl
from jax.experimental.pallas import tpu as pltpu
from jax.experimental.pallas import tpu_sc as plsc

DIM = 16
B = 16384
K = 50

NC = 2
NS = 16
NW = NC * NS

B_PER_W = B // NW
NBR_PER_W = B_PER_W * K
CHUNK_B = 32
CHUNK_ROWS = CHUNK_B * K
N_CH = B_PER_W // CHUNK_B
GROUPS = CHUNK_B // 16



def _splat(x):
    return jnp.full((16,), x, dtype=jnp.int32)


def _minv_norm(nsq):
    i = lax.bitcast_convert_type(nsq, jnp.int32)
    y = lax.bitcast_convert_type(jnp.int32(0x5F3759DF) - (i >> 1), jnp.float32)
    y = y * (1.5 - 0.5 * nsq * y * y)
    y = y * (1.5 - 0.5 * nsq * y * y)
    return jnp.minimum(1.0, y)


N_ENT = 1000000
TCH = 1024
N_TCH = N_ENT // TCH
T_TAIL = N_ENT - N_TCH * TCH


TPAD = TCH + 8


def _transpose_body(etab_t, tail_in, out, in0, in1, ob0, ob1,
                    sem0, sem1, semo0, semo1):
    wid = lax.axis_index("s") * NC + lax.axis_index("c")
    iota = lax.iota(jnp.int32, 16)
    iota16 = iota * 16

    niter = (N_TCH // NW + 2) // 2

    def do_chunk(cid, inbuf, obuf, semo, first):
        @pl.when(jnp.logical_not(first))
        def _():
            pltpu.make_async_copy(
                obuf, out.at[pl.ds(0, TCH * DIM)], semo).wait()

        def tr_body(j, carry):
            xs = []
            nsq = jnp.zeros((16,), jnp.float32)
            for d in range(DIM):
                xd = inbuf[d, pl.ds(j * 16, 16)]
                xs.append(xd)
                nsq = nsq + xd * xd
            scl = _minv_norm(nsq)
            for d in range(DIM):
                plsc.store_scatter(obuf, [iota16 + _splat(j * 256 + d)],
                                   xs[d] * scl)
            return carry
        lax.fori_loop(0, TCH // 16, tr_body, 0)
        pltpu.async_copy(obuf, out.at[pl.ds(cid * (TCH * DIM), TCH * DIM)],
                         semo)

    def issue(cid, buf, sem):
        pltpu.async_copy(etab_t.at[:, pl.ds(cid * TCH, TCH)],
                         buf.at[:, pl.ds(0, TCH)], sem)

    def pair_body(i, carry):
        c0 = (2 * i) * NW + wid
        c1 = (2 * i + 1) * NW + wid

        @pl.when(c0 < N_TCH)
        def _():
            pltpu.make_async_copy(
                etab_t.at[:, pl.ds(0, TCH)], in0.at[:, pl.ds(0, TCH)],
                sem0).wait()
            do_chunk(c0, in0, ob0, semo0, i == 0)

        @pl.when(c0 + 2 * NW < N_TCH)
        def _():
            issue(c0 + 2 * NW, in0, sem0)

        @pl.when(c1 < N_TCH)
        def _():
            pltpu.make_async_copy(
                etab_t.at[:, pl.ds(0, TCH)], in1.at[:, pl.ds(0, TCH)],
                sem1).wait()
            do_chunk(c1, in1, ob1, semo1, i == 0)

        @pl.when(c1 + 2 * NW < N_TCH)
        def _():
            issue(c1 + 2 * NW, in1, sem1)

        return carry

    issue(wid, in0, sem0)

    @pl.when(wid + NW < N_TCH)
    def _():
        issue(wid + NW, in1, sem1)

    lax.fori_loop(0, niter, pair_body, 0)

    pltpu.make_async_copy(ob0, out.at[pl.ds(0, TCH * DIM)], semo0).wait()
    pltpu.make_async_copy(ob1, out.at[pl.ds(0, TCH * DIM)], semo1).wait()

    @pl.when(wid == 0)
    def _():
        pltpu.sync_copy(tail_in, ob0.at[pl.ds(0, T_TAIL * DIM)])
        pltpu.sync_copy(ob0.at[pl.ds(0, T_TAIL * DIM)],
                        out.at[pl.ds(N_TCH * TCH * DIM, T_TAIL * DIM)])


@jax.jit
def _sc_repack(etab_t, tail_in):
    mesh = plsc.VectorSubcoreMesh(core_axis_name="c", subcore_axis_name="s")
    f = functools.partial(
        pl.kernel,
        mesh=mesh,
        out_type=jax.ShapeDtypeStruct((N_ENT * DIM,), jnp.float32),
        scratch_types=[
            pltpu.VMEM((DIM, TPAD), jnp.float32),
            pltpu.VMEM((DIM, TPAD), jnp.float32),
            pltpu.VMEM((TCH * DIM,), jnp.float32),
            pltpu.VMEM((TCH * DIM,), jnp.float32),
            pltpu.SemaphoreType.DMA,
            pltpu.SemaphoreType.DMA,
            pltpu.SemaphoreType.DMA,
            pltpu.SemaphoreType.DMA,
        ],
        compiler_params=pltpu.CompilerParams(needs_layout_passes=False),
    )(_transpose_body)
    return f(etab_t, tail_in)


def _attn_body(nbr_idx, tgt_idx, vtw, a1w, a2w, etab, out,
               idxs_v, tidx_v, vtw_v, a1w_v, a2w_v,
               rows0, rows1, trows, out_v,
               sem0, sem1, semt):
    wid = lax.axis_index("s") * NC + lax.axis_index("c")
    iota = lax.iota(jnp.int32, 16)
    iota16 = iota * 16

    pltpu.sync_copy(nbr_idx.at[pl.ds(wid * NBR_PER_W, NBR_PER_W)], idxs_v)
    pltpu.sync_copy(tgt_idx.at[pl.ds(wid * B_PER_W, B_PER_W)], tidx_v)
    pltpu.sync_copy(vtw.at[pl.ds(wid * B_PER_W * DIM, B_PER_W * DIM)], vtw_v)
    pltpu.sync_copy(a1w, a1w_v)
    pltpu.sync_copy(a2w, a2w_v)

    pltpu.async_copy(etab.at[tidx_v], trows, semt)
    pltpu.async_copy(etab.at[idxs_v.at[pl.ds(0, CHUNK_ROWS)]], rows0, sem0)

    a1v = [plsc.load_gather(a1w_v, [_splat(d)]) for d in range(DIM)]
    a2v = [plsc.load_gather(a2w_v, [_splat(d)]) for d in range(DIM)]

    pltpu.make_async_copy(etab.at[tidx_v], trows, semt).wait()

    def compute_chunk(c, rows):
        def group_body(g, carry):
            gb = c * CHUNK_B + g * 16

            t_idx0 = _splat(gb) + iota
            e_t = jnp.zeros((16,), jnp.float32)
            for d in range(DIM):
                x = plsc.load_gather(trows, [t_idx0, _splat(d)])
                e_t = e_t + a1v[d] * x

            vbase = gb * DIM
            vtw_l = [plsc.load_gather(vtw_v, [_splat(vbase + d) + iota16])
                     for d in range(DIM)]

            def kbody(k, kc):
                s, acc = kc
                base = _splat(g * (16 * K) + k * 16) + iota
                e_un = jnp.zeros((16,), jnp.float32)
                q_un = jnp.zeros((16,), jnp.float32)
                for d in range(DIM):
                    x = plsc.load_gather(rows, [base, _splat(d)])
                    e_un = e_un + a2v[d] * x
                    q_un = q_un + vtw_l[d] * x
                e2 = e_t + e_un
                eij = jnp.maximum(e2, 0.2 * e2)
                w = jnp.exp(eij)
                return (s + w, acc + w * q_un)

            z = jnp.zeros((16,), jnp.float32)
            s, acc = lax.fori_loop(0, K, kbody, (z, z))

            uv = acc / s
            out_v[pl.ds(gb, 16)] = 1.0 / (1.0 + jnp.exp(-uv))
            return carry

        lax.fori_loop(0, GROUPS, group_body, 0)

    def pair_body(i, carry):
        c0 = 2 * i
        pltpu.make_async_copy(
            etab.at[idxs_v.at[pl.ds(0, CHUNK_ROWS)]], rows0, sem0).wait()
        pltpu.async_copy(
            etab.at[idxs_v.at[pl.ds((c0 + 1) * CHUNK_ROWS, CHUNK_ROWS)]],
            rows1, sem1)
        compute_chunk(c0, rows0)
        pltpu.make_async_copy(
            etab.at[idxs_v.at[pl.ds(0, CHUNK_ROWS)]], rows1, sem1).wait()

        @pl.when(i < N_CH // 2 - 1)
        def _():
            pltpu.async_copy(
                etab.at[idxs_v.at[pl.ds((c0 + 2) * CHUNK_ROWS, CHUNK_ROWS)]],
                rows0, sem0)

        compute_chunk(c0 + 1, rows1)
        return carry

    lax.fori_loop(0, N_CH // 2, pair_body, 0)
    pltpu.sync_copy(out_v, out.at[pl.ds(wid * B_PER_W, B_PER_W)])


@jax.jit
def _sc_attn(nbr_idx, tgt_idx, vtw, a1w, a2w, etab):
    mesh = plsc.VectorSubcoreMesh(core_axis_name="c", subcore_axis_name="s")
    f = functools.partial(
        pl.kernel,
        mesh=mesh,
        out_type=jax.ShapeDtypeStruct((B,), jnp.float32),
        scratch_types=[
            pltpu.VMEM((NBR_PER_W,), jnp.int32),
            pltpu.VMEM((B_PER_W,), jnp.int32),
            pltpu.VMEM((B_PER_W * DIM,), jnp.float32),
            pltpu.VMEM((DIM,), jnp.float32),
            pltpu.VMEM((DIM,), jnp.float32),
            pltpu.VMEM((CHUNK_ROWS, DIM), jnp.float32),
            pltpu.VMEM((CHUNK_ROWS, DIM), jnp.float32),
            pltpu.VMEM((B_PER_W, DIM), jnp.float32),
            pltpu.VMEM((B_PER_W,), jnp.float32),
            pltpu.SemaphoreType.DMA,
            pltpu.SemaphoreType.DMA,
            pltpu.SemaphoreType.DMA,
        ],
        compiler_params=pltpu.CompilerParams(
            use_tc_tiling_on_sc=False, needs_layout_passes=False),
    )(_attn_body)
    return f(nbr_idx, tgt_idx, vtw, a1w, a2w, etab)


def kernel(u, target_ids, neighbor_ids, entity_table, user_table, W, a):
    usr = jnp.take(user_table, u.astype(jnp.int32), axis=0)
    n = jnp.linalg.norm(usr, axis=-1, keepdims=True)
    usr = usr * jnp.minimum(1.0, 1.0 / jnp.maximum(n, 1e-12))
    v = usr[:, : DIM // 2] + usr[:, DIM // 2:]
    vtw = (v @ W).reshape(-1)
    a1w = a[0, : DIM // 2] @ W
    a2w = a[0, DIM // 2:] @ W
    tail = entity_table[N_TCH * TCH:]
    tn = jnp.linalg.norm(tail, axis=-1, keepdims=True)
    tail_in = (tail * jnp.minimum(1.0, 1.0 / jnp.maximum(tn, 1e-12))
               ).reshape(-1)
    etab_packed = _sc_repack(entity_table.T, tail_in)
    nbr_perm = (neighbor_ids.astype(jnp.int32)
                .reshape(B // 16, 16, K).transpose(0, 2, 1).reshape(-1))
    return _sc_attn(nbr_perm, target_ids.astype(jnp.int32),
                    vtw, a1w, a2w, etab_packed.reshape(N_ENT, DIM))

# --- scband reference (transcript-rebuilt; emitter-appended) ---
"""Pipeline reference for scband-gat4-rec-13142599925974 (READ-ONLY COPY).

The authoritative reference and input builder live on the scoring server;
editing this copy changes nothing except your own understanding.
"""

import jax, jax.numpy as jnp
import numpy as np

N_USERS = 1000000
N_ENTITYS = 1000000
DIM = 16
HEADS = 2
B = 16384
K = 50


def setup_inputs(seed: int = 0) -> dict:
    key = jax.random.key(seed)
    k1, k2, k3, k4, k5, k6, k7 = jax.random.split(key, 7)
    return {
        "u": jax.random.randint(k1, (B,), 0, N_USERS, dtype=jnp.int64) if jax.config.jax_enable_x64 else jax.random.randint(k1, (B,), 0, N_USERS),
        "target_ids": jax.random.randint(k2, (B,), 0, N_ENTITYS),
        "neighbor_ids": jax.random.randint(k3, (B, K), 0, N_ENTITYS),
        "entity_table": jax.random.normal(k4, (N_ENTITYS, DIM), dtype=jnp.float32) * 0.1,
        "user_table": jax.random.normal(k5, (N_USERS, DIM), dtype=jnp.float32) * 0.1,
        "W": jax.random.normal(k6, (DIM // HEADS, DIM), dtype=jnp.float32) * (1.0 / np.sqrt(DIM)),
        "a": jax.random.normal(k7, (1, DIM), dtype=jnp.float32) * (1.0 / np.sqrt(DIM)),
    }


def _maxnorm_gather(table, idx, max_norm=1.0):
    # emulate nn.Embedding(max_norm=1): rows with norm > 1 are rescaled to norm 1 at lookup
    e = jnp.take(table, idx, axis=0)
    n = jnp.linalg.norm(e, axis=-1, keepdims=True)
    scale = jnp.minimum(1.0, max_norm / jnp.maximum(n, 1e-12))
    return e * scale


def _one_head_attention(W, a, target_embeddings, neighbor_embeddings):
    # W: [dim//heads, dim] (torch Linear weight), a: [1, dim]
    tw = target_embeddings @ W.T                      # [B, dim//heads]
    nw = neighbor_embeddings @ W.T                    # [B, K, dim//heads]
    tb = jnp.broadcast_to(tw[:, None, :], nw.shape)   # [B, K, dim//heads]
    cat = jnp.concatenate([tb, nw], axis=2)           # [B, K, dim]
    eij = jax.nn.leaky_relu(cat @ a.T, negative_slope=0.2)  # [B, K, 1]
    aij = jax.nn.softmax(eij, axis=1)
    return jnp.sum(aij * nw, axis=1)                  # [B, dim//heads]


def reference(u, target_ids, neighbor_ids, entity_table, user_table, W, a):
    # gnnForward with a single-hop graph_map: entity_embs from neighbor ids, target_embs from target ids
    entity_embs = _maxnorm_gather(entity_table, neighbor_ids)   # [B, K, dim]
    target_embs = _maxnorm_gather(entity_table, target_ids)     # [B, dim]
    embs = [_one_head_attention(W, a, target_embs, entity_embs) for _ in range(HEADS)]
    items = jnp.concatenate(embs, axis=-1)                      # [B, dim]
    users = _maxnorm_gather(user_table, u)                      # [B, dim]
    uv = jnp.sum(users * items, axis=1)                         # [B]
    logit = jax.nn.sigmoid(uv)
    return logit

if __name__ == "__main__":
    import jax
    _d = setup_inputs()
    print(jax.jit(kernel)(*tuple(_d.values())))

</pallas_src>

<mosaic_0001>
#map = affine_map<(d0, d1) -> (0, 0)>
#map1 = affine_map<(d0, d1) -> (0)>
module attributes {stable_mosaic.version = 14 : i64} {
  func.func @_transpose_body(%arg0: i32, %arg1: i32, %arg2: memref<16x1000000xf32, #tpu.memory_space<hbm>>, %arg3: memref<9216xf32, #tpu.memory_space<hbm>>, %arg4: memref<16000000xf32, #tpu.memory_space<hbm>>, %arg5: memref<16x1032xf32, #tpu.memory_space<vmem>>, %arg6: memref<16x1032xf32, #tpu.memory_space<vmem>>, %arg7: memref<16384xf32, #tpu.memory_space<vmem>>, %arg8: memref<16384xf32, #tpu.memory_space<vmem>>, %arg9: memref<!tpu.dma_semaphore, #tpu.memory_space<semaphore_mem>>, %arg10: memref<!tpu.dma_semaphore, #tpu.memory_space<semaphore_mem>>, %arg11: memref<!tpu.dma_semaphore, #tpu.memory_space<semaphore_mem>>, %arg12: memref<!tpu.dma_semaphore, #tpu.memory_space<semaphore_mem>>) attributes {dimension_semantics = [#tpu.dimension_semantics<core_parallel>, #tpu.dimension_semantics<subcore_parallel>], iteration_bounds = array<i64: 2, 16>, scalar_prefetch = 0 : i64, scratch_operands = 8 : i64, tpu.core_type = #tpu.core_type<sc_vector_subcore>, window_params = [{transform_indices = #map}, {transform_indices = #map1}, {transform_indices = #map1}]} {
    %mul3A = arith.constant 2 : i32
    %mul3A_0 = arith.muli %arg1, %mul3A : i32
    %add3A = arith.addi %mul3A_0, %arg0 : i32
    %iota3A = tpu.iota {dimensions = array<i32: 0>} : vector<16xi32>
    %mul3A_1 = arith.constant 16 : i32
    %mul3A_2 = vector.broadcast %mul3A_1 : i32 to vector<16xi32>
    %mul3A_3 = arith.muli %iota3A, %mul3A_2 : vector<16xi32>
    %mul3A_4 = arith.constant 1024 : i32
    %mul3A_5 = arith.muli %add3A, %mul3A_4 : i32
    %dma_start3A = arith.constant 0 : i32
    %dma_start3A_6 = arith.constant 0 : i32
    %dma_start3A_7 = tpu.memref_slice %arg5[%dma_start3A, %dma_start3A_6] : memref<16x1032xf32, #tpu.memory_space<vmem>> -> memref<16x1024xf32, #tpu.memory_space<vmem>>
    %dma_start3A_8 = arith.constant 0 : i32
    %dma_start3A_9 = tpu.memref_slice %arg2[%dma_start3A_8, %mul3A_5] : memref<16x1000000xf32, #tpu.memory_space<hbm>> -> memref<16x1024xf32, #tpu.memory_space<hbm>>
    %dma_start3A_10 = arith.constant 0 : i32
    %dma_start3A_11 = arith.constant 0 : i32
    %dma_start3A_12 = tpu.memref_slice %arg5[%dma_start3A_10, %dma_start3A_11] : memref<16x1032xf32, #tpu.memory_space<vmem>> -> memref<16x1024xf32, #tpu.memory_space<vmem>>
    %dma_start3A_13 = arith.constant 0 : i32
    %dma_start3A_14 = tpu.memref_slice %arg2[%dma_start3A_13, %mul3A_5] : memref<16x1000000xf32, #tpu.memory_space<hbm>> -> memref<16x1024xf32, #tpu.memory_space<hbm>>
    tpu.enqueue_dma source(%dma_start3A_14 : memref<16x1024xf32, #tpu.memory_space<hbm>>) target(%dma_start3A_12 : memref<16x1024xf32, #tpu.memory_space<vmem>>) target_semaphore(%arg9 : memref<!tpu.dma_semaphore, #tpu.memory_space<semaphore_mem>>)
    %add3A_15 = arith.constant 32 : i32
    %add3A_16 = arith.addi %add3A, %add3A_15 : i32
    %lt3A = arith.constant 976 : i32
    %lt3A_17 = arith.cmpi slt, %add3A_16, %lt3A : i32
    %convert_element_type3A = arith.extui %lt3A_17 : i1 to i32
    %cond3A = arith.constant 0 : i32
    %cond3A_18 = arith.cmpi ne, %convert_element_type3A, %cond3A : i32
    scf.if %cond3A_18 {
      %add3A_35 = arith.constant 32 : i32
      %add3A_36 = arith.addi %add3A, %add3A_35 : i32
      %mul3A_37 = arith.constant 1024 : i32
      %mul3A_38 = arith.muli %add3A_36, %mul3A_37 : i32
      %dma_start3A_39 = arith.constant 0 : i32
      %dma_start3A_40 = arith.constant 0 : i32
      %dma_start3A_41 = tpu.memref_slice %arg6[%dma_start3A_39, %dma_start3A_40] : memref<16x1032xf32, #tpu.memory_space<vmem>> -> memref<16x1024xf32, #tpu.memory_space<vmem>>
      %dma_start3A_42 = arith.constant 0 : i32
      %dma_start3A_43 = tpu.memref_slice %arg2[%dma_start3A_42, %mul3A_38] : memref<16x1000000xf32, #tpu.memory_space<hbm>> -> memref<16x1024xf32, #tpu.memory_space<hbm>>
      %dma_start3A_44 = arith.constant 0 : i32
      %dma_start3A_45 = arith.constant 0 : i32
      %dma_start3A_46 = tpu.memref_slice %arg6[%dma_start3A_44, %dma_start3A_45] : memref<16x1032xf32, #tpu.memory_space<vmem>> -> memref<16x1024xf32, #tpu.memory_space<vmem>>
      %dma_start3A_47 = arith.constant 0 : i32
      %dma_start3A_48 = tpu.memref_slice %arg2[%dma_start3A_47, %mul3A_38] : memref<16x1000000xf32, #tpu.memory_space<hbm>> -> memref<16x1024xf32, #tpu.memory_space<hbm>>
      tpu.enqueue_dma source(%dma_start3A_48 : memref<16x1024xf32, #tpu.memory_space<hbm>>) target(%dma_start3A_46 : memref<16x1024xf32, #tpu.memory_space<vmem>>) target_semaphore(%arg10 : memref<!tpu.dma_semaphore, #tpu.memory_space<semaphore_mem>>)
    } else {
    }
    %scan3A = arith.constant 0 : i32
    %scan3A_19 = arith.constant 0 : i32
    %scan3A_20 = arith.constant 16 : i32
    %scan3A_21 = arith.addi %scan3A_19, %scan3A_20 : i32
    %scan3A_22 = arith.constant 1 : i32
    scf.for %scan3A_35 = %scan3A_19 to %scan3A_21 step %scan3A_22  : i32 {
      %mul3A_36 = arith.constant 2 : i32
      %mul3A_37 = arith.muli %mul3A_36, %scan3A_35 : i32
      %mul3A_38 = arith.constant 32 : i32
      %mul3A_39 = arith.muli %mul3A_37, %mul3A_38 : i32
      %add3A_40 = arith.addi %mul3A_39, %add3A : i32
      %mul3A_41 = arith.constant 2 : i32
      %mul3A_42 = arith.muli %mul3A_41, %scan3A_35 : i32
      %add3A_43 = arith.constant 1 : i32
      %add3A_44 = arith.addi %mul3A_42, %add3A_43 : i32
      %mul3A_45 = arith.constant 32 : i32
      %mul3A_46 = arith.muli %add3A_44, %mul3A_45 : i32
      %add3A_47 = arith.addi %mul3A_46, %add3A : i32
      %lt3A_48 = arith.constant 976 : i32
      %lt3A_49 = arith.cmpi slt, %add3A_40, %lt3A_48 : i32
      %convert_element_type3A_50 = arith.extui %lt3A_49 : i1 to i32
      %cond3A_51 = arith.constant 0 : i32
      %cond3A_52 = arith.cmpi ne, %convert_element_type3A_50, %cond3A_51 : i32
      scf.if %cond3A_52 {
        %dma_wait3A_72 = arith.constant 0 : i32
        %dma_wait3A_73 = arith.constant 0 : i32
        %dma_wait3A_74 = tpu.memref_slice %arg5[%dma_wait3A_72, %dma_wait3A_73] : memref<16x1032xf32, #tpu.memory_space<vmem>> -> memref<16x1024xf32, #tpu.memory_space<vmem>>
        %dma_wait3A_75 = arith.constant 0 : i32
        %dma_wait3A_76 = arith.constant 0 : i32
        %dma_wait3A_77 = tpu.memref_slice %arg2[%dma_wait3A_75, %dma_wait3A_76] : memref<16x1000000xf32, #tpu.memory_space<hbm>> -> memref<16x1024xf32, #tpu.memory_space<hbm>>
        %dma_wait3A_78 = arith.constant 0 : i32
        %dma_wait3A_79 = arith.constant 0 : i32
        %dma_wait3A_80 = tpu.memref_slice %arg5[%dma_wait3A_78, %dma_wait3A_79] : memref<16x1032xf32, #tpu.memory_space<vmem>> -> memref<16x1024xf32, #tpu.memory_space<vmem>>
        %dma_wait3A_81 = arith.constant 0 : i32
        %dma_wait3A_82 = arith.constant 0 : i32
        %dma_wait3A_83 = tpu.memref_slice %arg2[%dma_wait3A_81, %dma_wait3A_82] : memref<16x1000000xf32, #tpu.memory_space<hbm>> -> memref<16x1024xf32, #tpu.memory_space<hbm>>
        tpu.wait_dma2 semaphore(%arg9 : memref<!tpu.dma_semaphore, #tpu.memory_space<semaphore_mem>>) src(%dma_wait3A_83 : memref<16x1024xf32, #tpu.memory_space<hbm>>) dst(%dma_wait3A_80 : memref<16x1024xf32, #tpu.memory_space<vmem>>)
        %eq3A_84 = arith.constant 0 : i32
        %eq3A_85 = arith.cmpi eq, %scan3A_35, %eq3A_84 : i32
        %not3A = arith.constant true
        %not3A_86 = arith.xori %eq3A_85, %not3A : i1
        %convert_element_type3A_87 = arith.extui %not3A_86 : i1 to i32
        %cond3A_88 = arith.constant 0 : i32
        %cond3A_89 = arith.cmpi ne, %convert_element_type3A_87, %cond3A_88 : i32
        scf.if %cond3A_89 {
          %dma_wait3A_100 = arith.constant 0 : i32
          %dma_wait3A_101 = tpu.memref_slice %arg4[%dma_wait3A_100] : memref<16000000xf32, #tpu.memory_space<hbm>> -> memref<16384xf32, #tpu.memory_space<hbm>>
          %dma_wait3A_102 = arith.constant 0 : i32
          %dma_wait3A_103 = tpu.memref_slice %arg4[%dma_wait3A_102] : memref<16000000xf32, #tpu.memory_space<hbm>> -> memref<16384xf32, #tpu.memory_space<hbm>>
          tpu.wait_dma2 semaphore(%arg11 : memref<!tpu.dma_semaphore, #tpu.memory_space<semaphore_mem>>) src(%arg7 : memref<16384xf32, #tpu.memory_space<vmem>>) dst(%dma_wait3A_103 : memref<16384xf32, #tpu.memory_space<hbm>>)
        } else {
        }
        %scan3A_90 = arith.constant 0 : i32
        %scan3A_91 = arith.constant 0 : i32
        %scan3A_92 = arith.constant 64 : i32
        %scan3A_93 = arith.addi %scan3A_91, %scan3A_92 : i32
        %scan3A_94 = arith.constant 1 : i32
        scf.for %scan3A_100 = %scan3A_91 to %scan3A_93 step %scan3A_94  : i32 {
          %broadcast_in_dim3A = arith.constant 0.000000e+00 : f32
          %broadcast_in_dim3A_101 = vector.broadcast %broadcast_in_dim3A : f32 to vector<16xf32>
          %mul3A_102 = arith.constant 16 : i32
          %mul3A_103 = arith.muli %scan3A_100, %mul3A_102 : i32
          %get3A = arith.constant 0 : i32
          %get3A_104 = arith.index_cast %get3A : i32 to index
          %get3A_105 = arith.index_cast %mul3A_103 : i32 to index
          %get3A_106 = tpu.vector_load %arg5[%get3A_104, %get3A_105] {strides = array<i32>} : memref<16x1032xf32, #tpu.memory_space<vmem>>, vector<16xf32>,
          %mul3A_107 = arith.mulf %get3A_106, %get3A_106 : vector<16xf32>
          %add3A_108 = arith.addf %broadcast_in_dim3A_101, %mul3A_107 : vector<16xf32>
          %mul3A_109 = arith.constant 16 : i32
          %mul3A_110 = arith.muli %scan3A_100, %mul3A_109 : i32
          %get3A_111 = arith.constant 1 : i32
          %get3A_112 = arith.index_cast %get3A_111 : i32 to index
          %get3A_113 = arith.index_cast %mul3A_110 : i32 to index
          %get3A_114 = tpu.vector_load %arg5[%get3A_112, %get3A_113] {strides = array<i32>} : memref<16x1032xf32, #tpu.memory_space<vmem>>, vector<16xf32>,
          %mul3A_115 = arith.mulf %get3A_114, %get3A_114 : vector<16xf32>
          %add3A_116 = arith.addf %add3A_108, %mul3A_115 : vector<16xf32>
          %mul3A_117 = arith.constant 16 : i32
          %mul3A_118 = arith.muli %scan3A_100, %mul3A_117 : i32
          %get3A_119 = arith.constant 2 : i32
          %get3A_120 = arith.index_cast %get3A_119 : i32 to index
          %get3A_121 = arith.index_cast %mul3A_118 : i32 to index
          %get3A_122 = tpu.vector_load %arg5[%get3A_120, %get3A_121] {strides = array<i32>} : memref<16x1032xf32, #tpu.memory_space<vmem>>, vector<16xf32>,
          %mul3A_123 = arith.mulf %get3A_122, %get3A_122 : vector<16xf32>
          %add3A_124 = arith.addf %add3A_116, %mul3A_123 : vector<16xf32>
          %mul3A_125 = arith.constant 16 : i32
          %mul3A_126 = arith.muli %scan3A_100, %mul3A_125 : i32
          %get3A_127 = arith.constant 3 : i32
          %get3A_128 = arith.index_cast %get3A_127 : i32 to index
          %get3A_129 = arith.index_cast %mul3A_126 : i32 to index
          %get3A_130 = tpu.vector_load %arg5[%get3A_128, %get3A_129] {strides = array<i32>} : memref<16x1032xf32, #tpu.memory_space<vmem>>, vector<16xf32>,
          %mul3A_131 = arith.mulf %get3A_130, %get3A_130 : vector<16xf32>
          %add3A_132 = arith.addf %add3A_124, %mul3A_131 : vector<16xf32>
          %mul3A_133 = arith.constant 16 : i32
          %mul3A_134 = arith.muli %scan3A_100, %mul3A_133 : i32
          %get3A_135 = arith.constant 4 : i32
          %get3A_136 = arith.index_cast %get3A_135 : i32 to index
          %get3A_137 = arith.index_cast %mul3A_134 : i32 to index
          %get3A_138 = tpu.vector_load %arg5[%get3A_136, %get3A_137] {strides = array<i32>} : memref<16x1032xf32, #tpu.memory_space<vmem>>, vector<16xf32>,
          %mul3A_139 = arith.mulf %get3A_138, %get3A_138 : vector<16xf32>
          %add3A_140 = arith.addf %add3A_132, %mul3A_139 : vector<16xf32>
          %mul3A_141 = arith.constant 16 : i32
          %mul3A_142 = arith.muli %scan3A_100, %mul3A_141 : i32
          %get3A_143 = arith.constant 5 : i32
          %get3A_144 = arith.index_cast %get3A_143 : i32 to index
          %get3A_145 = arith.index_cast %mul3A_142 : i32 to index
          %get3A_146 = tpu.vector_load %arg5[%get3A_144, %get3A_145] {strides = array<i32>} : memref<16x1032xf32, #tpu.memory_space<vmem>>, vector<16xf32>,
          %mul3A_147 = arith.mulf %get3A_146, %get3A_146 : vector<16xf32>
          %add3A_148 = arith.addf %add3A_140, %mul3A_147 : vector<16xf32>
          %mul3A_149 = arith.constant 16 : i32
          %mul3A_150 = arith.muli %scan3A_100, %mul3A_149 : i32
          %get3A_151 = arith.constant 6 : i32
          %get3A_152 = arith.index_cast %get3A_151 : i32 to index
          %get3A_153 = arith.index_cast %mul3A_150 : i32 to index
          %get3A_154 = tpu.vector_load %arg5[%get3A_152, %get3A_153] {strides = array<i32>} : memref<16x1032xf32, #tpu.memory_space<vmem>>, vector<16xf32>,
          %mul3A_155 = arith.mulf %get3A_154, %get3A_154 : vector<16xf32>
          %add3A_156 = arith.addf %add3A_148, %mul3A_155 : vector<16xf32>
          %mul3A_157 = arith.constant 16 : i32
          %mul3A_158 = arith.muli %scan3A_100, %mul3A_157 : i32
          %get3A_159 = arith.constant 7 : i32
          %get3A_160 = arith.index_cast %get3A_159 : i32 to index
          %get3A_161 = arith.index_cast %mul3A_158 : i32 to index
          %get3A_162 = tpu.vector_load %arg5[%get3A_160, %get3A_161] {strides = array<i32>} : memref<16x1032xf32, #tpu.memory_space<vmem>>, vector<16xf32>,
          %mul3A_163 = arith.mulf %get3A_162, %get3A_162 : vector<16xf32>
          %add3A_164 = arith.addf %add3A_156, %mul3A_163 : vector<16xf32>
          %mul3A_165 = arith.constant 16 : i32
          %mul3A_166 = arith.muli %scan3A_100, %mul3A_165 : i32
          %get3A_167 = arith.constant 8 : i32
          %get3A_168 = arith.index_cast %get3A_167 : i32 to index
          %get3A_169 = arith.index_cast %mul3A_166 : i32 to index
          %get3A_170 = tpu.vector_load %arg5[%get3A_168, %get3A_169] {strides = array<i32>} : memref<16x1032xf32, #tpu.memory_space<vmem>>, vector<16xf32>,
          %mul3A_171 = arith.mulf %get3A_170, %get3A_170 : vector<16xf32>
          %add3A_172 = arith.addf %add3A_164, %mul3A_171 : vector<16xf32>
          %mul3A_173 = arith.constant 16 : i32
          %mul3A_174 = arith.muli %scan3A_100, %mul3A_173 : i32
          %get3A_175 = arith.constant 9 : i32
          %get3A_176 = arith.index_cast %get3A_175 : i32 to index
          %get3A_177 = arith.index_cast %mul3A_174 : i32 to index
          %get3A_178 = tpu.vector_load %arg5[%get3A_176, %get3A_177] {strides = array<i32>} : memref<16x1032xf32, #tpu.memory_space<vmem>>, vector<16xf32>,
          %mul3A_179 = arith.mulf %get3A_178, %get3A_178 : vector<16xf32>
          %add3A_180 = arith.addf %add3A_172, %mul3A_179 : vector<16xf32>
          %mul3A_181 = arith.constant 16 : i32
          %mul3A_182 = arith.muli %scan3A_100, %mul3A_181 : i32
          %get3A_183 = arith.constant 10 : i32
          %get3A_184 = arith.index_cast %get3A_183 : i32 to index
          %get3A_185 = arith.index_cast %mul3A_182 : i32 to index
          %get3A_186 = tpu.vector_load %arg5[%get3A_184, %get3A_185] {strides = array<i32>} : memref<16x1032xf32, #tpu.memory_space<vmem>>, vector<16xf32>,
          %mul3A_187 = arith.mulf %get3A_186, %get3A_186 : vector<16xf32>
          %add3A_188 = arith.addf %add3A_180, %mul3A_187 : vector<16xf32>
          %mul3A_189 = arith.constant 16 : i32
          %mul3A_190 = arith.muli %scan3A_100, %mul3A_189 : i32
          %get3A_191 = arith.constant 11 : i32
          %get3A_192 = arith.index_cast %get3A_191 : i32 to index
          %get3A_193 = arith.index_cast %mul3A_190 : i32 to index
          %get3A_194 = tpu.vector_load %arg5[%get3A_192, %get3A_193] {strides = array<i32>} : memref<16x1032xf32, #tpu.memory_space<vmem>>, vector<16xf32>,
          %mul3A_195 = arith.mulf %get3A_194, %get3A_194 : vector<16xf32>
          %add3A_196 = arith.addf %add3A_188, %mul3A_195 : vector<16xf32>
          %mul3A_197 = arith.constant 16 : i32
          %mul3A_198 = arith.muli %scan3A_100, %mul3A_197 : i32
          %get3A_199 = arith.constant 12 : i32
          %get3A_200 = arith.index_cast %get3A_199 : i32 to index
          %get3A_201 = arith.index_cast %mul3A_198 : i32 to index
          %get3A_202 = tpu.vector_load %arg5[%get3A_200, %get3A_201] {strides = array<i32>} : memref<16x1032xf32, #tpu.memory_space<vmem>>, vector<16xf32>,
          %mul3A_203 = arith.mulf %get3A_202, %get3A_202 : vector<16xf32>
          %add3A_204 = arith.addf %add3A_196, %mul3A_203 : vector<16xf32>
          %mul3A_205 = arith.constant 16 : i32
          %mul3A_206 = arith.muli %scan3A_100, %mul3A_205 : i32
          %get3A_207 = arith.constant 13 : i32
          %get3A_208 = arith.index_cast %get3A_207 : i32 to index
          %get3A_209 = arith.index_cast %mul3A_206 : i32 to index
          %get3A_210 = tpu.vector_load %arg5[%get3A_208, %get3A_209] {strides = array<i32>} : memref<16x1032xf32, #tpu.memory_space<vmem>>, vector<16xf32>,
          %mul3A_211 = arith.mulf %get3A_210, %get3A_210 : vector<16xf32>
          %add3A_212 = arith.addf %add3A_204, %mul3A_211 : vector<16xf32>
          %mul3A_213 = arith.constant 16 : i32
          %mul3A_214 = arith.muli %scan3A_100, %mul3A_213 : i32
          %get3A_215 = arith.constant 14 : i32
          %get3A_216 = arith.index_cast %get3A_215 : i32 to index
          %get3A_217 = arith.index_cast %mul3A_214 : i32 to index
          %get3A_218 = tpu.vector_load %arg5[%get3A_216, %get3A_217] {strides = array<i32>} : memref<16x1032xf32, #tpu.memory_space<vmem>>, vector<16xf32>,
          %mul3A_219 = arith.mulf %get3A_218, %get3A_218 : vector<16xf32>
          %add3A_220 = arith.addf %add3A_212, %mul3A_219 : vector<16xf32>
          %mul3A_221 = arith.constant 16 : i32
          %mul3A_222 = arith.muli %scan3A_100, %mul3A_221 : i32
          %get3A_223 = arith.constant 15 : i32
          %get3A_224 = arith.index_cast %get3A_223 : i32 to index
          %get3A_225 = arith.index_cast %mul3A_222 : i32 to index
          %get3A_226 = tpu.vector_load %arg5[%get3A_224, %get3A_225] {strides = array<i32>} : memref<16x1032xf32, #tpu.memory_space<vmem>>, vector<16xf32>,
          %mul3A_227 = arith.mulf %get3A_226, %get3A_226 : vector<16xf32>
          %add3A_228 = arith.addf %add3A_220, %mul3A_227 : vector<16xf32>
          %bitcast_convert_type3A = tpu.bitcast %add3A_228 : vector<16xf32> -> vector<16xi32>
          %shift_right_arithmetic3A = arith.constant 1 : i32
          %shift_right_arithmetic3A_229 = vector.broadcast %shift_right_arithmetic3A : i32 to vector<16xi32>
          %shift_right_arithmetic3A_230 = arith.shrsi %bitcast_convert_type3A, %shift_right_arithmetic3A_229 : vector<16xi32>
          %sub3A = arith.constant 1597463007 : i32
          %sub3A_231 = vector.broadcast %sub3A : i32 to vector<16xi32>
          %sub3A_232 = arith.subi %sub3A_231, %shift_right_arithmetic3A_230 : vector<16xi32>
          %bitcast_convert_type3A_233 = tpu.bitcast %sub3A_232 : vector<16xi32> -> vector<16xf32>
          %mul3A_234 = arith.constant 5.000000e-01 : f32
          %mul3A_235 = vector.broadcast %mul3A_234 : f32 to vector<16xf32>
          %mul3A_236 = arith.mulf %mul3A_235, %add3A_228 : vector<16xf32>
          %mul3A_237 = arith.mulf %mul3A_236, %bitcast_convert_type3A_233 : vector<16xf32>
          %mul3A_238 = arith.mulf %mul3A_237, %bitcast_convert_type3A_233 : vector<16xf32>
          %sub3A_239 = arith.constant 1.500000e+00 : f32
          %sub3A_240 = vector.broadcast %sub3A_239 : f32 to vector<16xf32>
          %sub3A_241 = arith.subf %sub3A_240, %mul3A_238 : vector<16xf32>
          %mul3A_242 = arith.mulf %bitcast_convert_type3A_233, %sub3A_241 : vector<16xf32>
          %mul3A_243 = arith.constant 5.000000e-01 : f32
          %mul3A_244 = vector.broadcast %mul3A_243 : f32 to vector<16xf32>
          %mul3A_245 = arith.mulf %mul3A_244, %add3A_228 : vector<16xf32>
          %mul3A_246 = arith.mulf %mul3A_245, %mul3A_242 : vector<16xf32>
          %mul3A_247 = arith.mulf %mul3A_246, %mul3A_242 : vector<16xf32>
          %sub3A_248 = arith.constant 1.500000e+00 : f32
          %sub3A_249 = vector.broadcast %sub3A_248 : f32 to vector<16xf32>
          %sub3A_250 = arith.subf %sub3A_249, %mul3A_247 : vector<16xf32>
          %mul3A_251 = arith.mulf %mul3A_242, %sub3A_250 : vector<16xf32>
          %min3A = arith.constant 1.000000e+00 : f32
          %min3A_252 = vector.broadcast %min3A : f32 to vector<16xf32>
          %min3A_253 = arith.minimumf %min3A_252, %mul3A_251 : vector<16xf32>
          %mul3A_254 = arith.constant 256 : i32
          %mul3A_255 = arith.muli %scan3A_100, %mul3A_254 : i32
          %add3A_256 = arith.constant 0 : i32
          %add3A_257 = arith.addi %mul3A_255, %add3A_256 : i32
          %broadcast_in_dim3A_258 = vector.broadcast %add3A_257 : i32 to vector<16xi32>
          %add3A_259 = arith.addi %mul3A_3, %broadcast_in_dim3A_258 : vector<16xi32>
          %mul3A_260 = arith.mulf %get3A_106, %min3A_253 : vector<16xf32>
          tpu.vector_store_idx %arg7[%add3A_259], %mul3A_260 : memref<16384xf32, #tpu.memory_space<vmem>>[vector<16xi32>], vector<16xf32>,
          %mul3A_261 = arith.constant 256 : i32
          %mul3A_262 = arith.muli %scan3A_100, %mul3A_261 : i32
          %add3A_263 = arith.constant 1 : i32
          %add3A_264 = arith.addi %mul3A_262, %add3A_263 : i32
          %broadcast_in_dim3A_265 = vector.broadcast %add3A_264 : i32 to vector<16xi32>
          %add3A_266 = arith.addi %mul3A_3, %broadcast_in_dim3A_265 : vector<16xi32>
          %mul3A_267 = arith.mulf %get3A_114, %min3A_253 : vector<16xf32>
          tpu.vector_store_idx %arg7[%add3A_266], %mul3A_267 : memref<16384xf32, #tpu.memory_space<vmem>>[vector<16xi32>], vector<16xf32>,
          %mul3A_268 = arith.constant 256 : i32
          %mul3A_269 = arith.muli %scan3A_100, %mul3A_268 : i32
          %add3A_270 = arith.constant 2 : i32
          %add3A_271 = arith.addi %mul3A_269, %add3A_270 : i32
          %broadcast_in_dim3A_272 = vector.broadcast %add3A_271 : i32 to vector<16xi32>
          %add3A_273 = arith.addi %mul3A_3, %broadcast_in_dim3A_272 : vector<16xi32>
          %mul3A_274 = arith.mulf %get3A_122, %min3A_253 : vector<16xf32>
          tpu.vector_store_idx %arg7[%add3A_273], %mul3A_274 : memref<16384xf32, #tpu.memory_space<vmem>>[vector<16xi32>], vector<16xf32>,
          %mul3A_275 = arith.constant 256 : i32
          %mul3A_276 = arith.muli %scan3A_100, %mul3A_275 : i32
          %add3A_277 = arith.constant 3 : i32
          %add3A_278 = arith.addi %mul3A_276, %add3A_277 : i32
          %broadcast_in_dim3A_279 = vector.broadcast %add3A_278 : i32 to vector<16xi32>
          %add3A_280 = arith.addi %mul3A_3, %broadcast_in_dim3A_279 : vector<16xi32>
          %mul3A_281 = arith.mulf %get3A_130, %min3A_253 : vector<16xf32>
          tpu.vector_store_idx %arg7[%add3A_280], %mul3A_281 : memref<16384xf32, #tpu.memory_space<vmem>>[vector<16xi32>], vector<16xf32>,
          %mul3A_282 = arith.constant 256 : i32
          %mul3A_283 = arith.muli %scan3A_100, %mul3A_282 : i32
          %add3A_284 = arith.constant 4 : i32
          %add3A_285 = arith.addi %mul3A_283, %add3A_284 : i32
          %broadcast_in_dim3A_286 = vector.broadcast %add3A_285 : i32 to vector<16xi32>
          %add3A_287 = arith.addi %mul3A_3, %broadcast_in_dim3A_286 : vector<16xi32>
          %mul3A_288 = arith.mulf %get3A_138, %min3A_253 : vector<16xf32>
          tpu.vector_store_idx %arg7[%add3A_287], %mul3A_288 : memref<16384xf32, #tpu.memory_space<vmem>>[vector<16xi32>], vector<16xf32>,
          %mul3A_289 = arith.constant 256 : i32
          %mul3A_290 = arith.muli %scan3A_100, %mul3A_289 : i32
          %add3A_291 = arith.constant 5 : i32
          %add3A_292 = arith.addi %mul3A_290, %add3A_291 : i32
          %broadcast_in_dim3A_293 = vector.broadcast %add3A_292 : i32 to vector<16xi32>
          %add3A_294 = arith.addi %mul3A_3, %broadcast_in_dim3A_293 : vector<16xi32>
          %mul3A_295 = arith.mulf %get3A_146, %min3A_253 : vector<16xf32>
          tpu.vector_store_idx %arg7[%add3A_294], %mul3A_295 : memref<16384xf32, #tpu.memory_space<vmem>>[vector<16xi32>], vector<16xf32>,
          %mul3A_296 = arith.constant 256 : i32
          %mul3A_297 = arith.muli %scan3A_100, %mul3A_296 : i32
          %add3A_298 = arith.constant 6 : i32
          %add3A_299 = arith.addi %mul3A_297, %add3A_298 : i32
          %broadcast_in_dim3A_300 = vector.broadcast %add3A_299 : i32 to vector<16xi32>
          %add3A_301 = arith.addi %mul3A_3, %broadcast_in_dim3A_300 : vector<16xi32>
          %mul3A_302 = arith.mulf %get3A_154, %min3A_253 : vector<16xf32>
          tpu.vector_store_idx %arg7[%add3A_301], %mul3A_302 : memref<16384xf32, #tpu.memory_space<vmem>>[vector<16xi32>], vector<16xf32>,
          %mul3A_303 = arith.constant 256 : i32
          %mul3A_304 = arith.muli %scan3A_100, %mul3A_303 : i32
          %add3A_305 = arith.constant 7 : i32
          %add3A_306 = arith.addi %mul3A_304, %add3A_305 : i32
          %broadcast_in_dim3A_307 = vector.broadcast %add3A_306 : i32 to vector<16xi32>
          %add3A_308 = arith.addi %mul3A_3, %broadcast_in_dim3A_307 : vector<16xi32>
          %mul3A_309 = arith.mulf %get3A_162, %min3A_253 : vector<16xf32>
          tpu.vector_store_idx %arg7[%add3A_308], %mul3A_309 : memref<16384xf32, #tpu.memory_space<vmem>>[vector<16xi32>], vector<16xf32>,
          %mul3A_310 = arith.constant 256 : i32
          %mul3A_311 = arith.muli %scan3A_100, %mul3A_310 : i32
          %add3A_312 = arith.constant 8 : i32
          %add3A_313 = arith.addi %mul3A_311, %add3A_312 : i32
          %broadcast_in_dim3A_314 = vector.broadcast %add3A_313 : i32 to vector<16xi32>
          %add3A_315 = arith.addi %mul3A_3, %broadcast_in_dim3A_314 : vector<16xi32>
          %mul3A_316 = arith.mulf %get3A_170, %min3A_253 : vector<16xf32>
          tpu.vector_store_idx %arg7[%add3A_315], %mul3A_316 : memref<16384xf32, #tpu.memory_space<vmem>>[vector<16xi32>], vector<16xf32>,
          %mul3A_317 = arith.constant 256 : i32
          %mul3A_318 = arith.muli %scan3A_100, %mul3A_317 : i32
          %add3A_319 = arith.constant 9 : i32
          %add3A_320 = arith.addi %mul3A_318, %add3A_319 : i32
          %broadcast_in_dim3A_321 = vector.broadcast %add3A_320 : i32 to vector<16xi32>
          %add3A_322 = arith.addi %mul3A_3, %broadcast_in_dim3A_321 : vector<16xi32>
          %mul3A_323 = arith.mulf %get3A_178, %min3A_253 : vector<16xf32>
          tpu.vector_store_idx %arg7[%add3A_322], %mul3A_323 : memref<16384xf32, #tpu.memory_space<vmem>>[vector<16xi32>], vector<16xf32>,
          %mul3A_324 = arith.constant 256 : i32
          %mul3A_325 = arith.muli %scan3A_100, %mul3A_324 : i32
          %add3A_326 = arith.constant 10 : i32
          %add3A_327 = arith.addi %mul3A_325, %add3A_326 : i32
          %broadcast_in_dim3A_328 = vector.broadcast %add3A_327 : i32 to vector<16xi32>
          %add3A_329 = arith.addi %mul3A_3, %broadcast_in_dim3A_328 : vector<16xi32>
          %mul3A_330 = arith.mulf %get3A_186, %min3A_253 : vector<16xf32>
          tpu.vector_store_idx %arg7[%add3A_329], %mul3A_330 : memref<16384xf32, #tpu.memory_space<vmem>>[vector<16xi32>], vector<16xf32>,
          %mul3A_331 = arith.constant 256 : i32
          %mul3A_332 = arith.muli %scan3A_100, %mul3A_331 : i32
          %add3A_333 = arith.constant 11 : i32
          %add3A_334 = arith.addi %mul3A_332, %add3A_333 : i32
          %broadcast_in_dim3A_335 = vector.broadcast %add3A_334 : i32 to vector<16xi32>
          %add3A_336 = arith.addi %mul3A_3, %broadcast_in_dim3A_335 : vector<16xi32>
          %mul3A_337 = arith.mulf %get3A_194, %min3A_253 : vector<16xf32>
          tpu.vector_store_idx %arg7[%add3A_336], %mul3A_337 : memref<16384xf32, #tpu.memory_space<vmem>>[vector<16xi32>], vector<16xf32>,
          %mul3A_338 = arith.constant 256 : i32
          %mul3A_339 = arith.muli %scan3A_100, %mul3A_338 : i32
          %add3A_340 = arith.constant 12 : i32
          %add3A_341 = arith.addi %mul3A_339, %add3A_340 : i32
          %broadcast_in_dim3A_342 = vector.broadcast %add3A_341 : i32 to vector<16xi32>
          %add3A_343 = arith.addi %mul3A_3, %broadcast_in_dim3A_342 : vector<16xi32>
          %mul3A_344 = arith.mulf %get3A_202, %min3A_253 : vector<16xf32>
          tpu.vector_store_idx %arg7[%add3A_343], %mul3A_344 : memref<16384xf32, #tpu.memory_space<vmem>>[vector<16xi32>], vector<16xf32>,
          %mul3A_345 = arith.constant 256 : i32
          %mul3A_346 = arith.muli %scan3A_100, %mul3A_345 : i32
          %add3A_347 = arith.constant 13 : i32
          %add3A_348 = arith.addi %mul3A_346, %add3A_347 : i32
          %broadcast_in_dim3A_349 = vector.broadcast %add3A_348 : i32 to vector<16xi32>
          %add3A_350 = arith.addi %mul3A_3, %broadcast_in_dim3A_349 : vector<16xi32>
          %mul3A_351 = arith.mulf %get3A_210, %min3A_253 : vector<16xf32>
          tpu.vector_store_idx %arg7[%add3A_350], %mul3A_351 : memref<16384xf32, #tpu.memory_space<vmem>>[vector<16xi32>], vector<16xf32>,
          %mul3A_352 = arith.constant 256 : i32
          %mul3A_353 = arith.muli %scan3A_100, %mul3A_352 : i32
          %add3A_354 = arith.constant 14 : i32
          %add3A_355 = arith.addi %mul3A_353, %add3A_354 : i32
          %broadcast_in_dim3A_356 = vector.broadcast %add3A_355 : i32 to vector<16xi32>
          %add3A_357 = arith.addi %mul3A_3, %broadcast_in_dim3A_356 : vector<16xi32>
          %mul3A_358 = arith.mulf %get3A_218, %min3A_253 : vector<16xf32>
          tpu.vector_store_idx %arg7[%add3A_357], %mul3A_358 : memref<16384xf32, #tpu.memory_space<vmem>>[vector<16xi32>], vector<16xf32>,
          %mul3A_359 = arith.constant 256 : i32
          %mul3A_360 = arith.muli %scan3A_100, %mul3A_359 : i32
          %add3A_361 = arith.constant 15 : i32
          %add3A_362 = arith.addi %mul3A_360, %add3A_361 : i32
          %broadcast_in_dim3A_363 = vector.broadcast %add3A_362 : i32 to vector<16xi32>
          %add3A_364 = arith.addi %mul3A_3, %broadcast_in_dim3A_363 : vector<16xi32>
          %mul3A_365 = arith.mulf %get3A_226, %min3A_253 : vector<16xf32>
          tpu.vector_store_idx %arg7[%add3A_364], %mul3A_365 : memref<16384xf32, #tpu.memory_space<vmem>>[vector<16xi32>], vector<16xf32>,
        }
        %scan3A_95 = arith.constant 64 : i32
        %mul3A_96 = arith.constant 16384 : i32
        %mul3A_97 = arith.muli %add3A_40, %mul3A_96 : i32
        %dma_start3A_98 = tpu.memref_slice %arg4[%mul3A_97] : memref<16000000xf32, #tpu.memory_space<hbm>> -> memref<16384xf32, #tpu.memory_space<hbm>>
        %dma_start3A_99 = tpu.memref_slice %arg4[%mul3A_97] : memref<16000000xf32, #tpu.memory_space<hbm>> -> memref<16384xf32, #tpu.memory_space<hbm>>
        tpu.enqueue_dma source(%arg7 : memref<16384xf32, #tpu.memory_space<vmem>>) target(%dma_start3A_99 : memref<16384xf32, #tpu.memory_space<hbm>>) target_semaphore(%arg11 : memref<!tpu.dma_semaphore, #tpu.memory_space<semaphore_mem>>)
      } else {
      }
      %add3A_53 = arith.constant 64 : i32
      %add3A_54 = arith.addi %add3A_40, %add3A_53 : i32
      %lt3A_55 = arith.constant 976 : i32
      %lt3A_56 = arith.cmpi slt, %add3A_54, %lt3A_55 : i32
      %convert_element_type3A_57 = arith.extui %lt3A_56 : i1 to i32
      %cond3A_58 = arith.constant 0 : i32
      %cond3A_59 = arith.cmpi ne, %convert_element_type3A_57, %cond3A_58 : i32
      scf.if %cond3A_59 {
        %add3A_72 = arith.constant 64 : i32
        %add3A_73 = arith.addi %add3A_40, %add3A_72 : i32
        %mul3A_74 = arith.constant 1024 : i32
        %mul3A_75 = arith.muli %add3A_73, %mul3A_74 : i32
        %dma_start3A_76 = arith.constant 0 : i32
        %dma_start3A_77 = arith.constant 0 : i32
        %dma_start3A_78 = tpu.memref_slice %arg5[%dma_start3A_76, %dma_start3A_77] : memref<16x1032xf32, #tpu.memory_space<vmem>> -> memref<16x1024xf32, #tpu.memory_space<vmem>>
        %dma_start3A_79 = arith.constant 0 : i32
        %dma_start3A_80 = tpu.memref_slice %arg2[%dma_start3A_79, %mul3A_75] : memref<16x1000000xf32, #tpu.memory_space<hbm>> -> memref<16x1024xf32, #tpu.memory_space<hbm>>
        %dma_start3A_81 = arith.constant 0 : i32
        %dma_start3A_82 = arith.constant 0 : i32
        %dma_start3A_83 = tpu.memref_slice %arg5[%dma_start3A_81, %dma_start3A_82] : memref<16x1032xf32, #tpu.memory_space<vmem>> -> memref<16x1024xf32, #tpu.memory_space<vmem>>
        %dma_start3A_84 = arith.constant 0 : i32
        %dma_start3A_85 = tpu.memref_slice %arg2[%dma_start3A_84, %mul3A_75] : memref<16x1000000xf32, #tpu.memory_space<hbm>> -> memref<16x1024xf32, #tpu.memory_space<hbm>>
        tpu.enqueue_dma source(%dma_start3A_85 : memref<16x1024xf32, #tpu.memory_space<hbm>>) target(%dma_start3A_83 : memref<16x1024xf32, #tpu.memory_space<vmem>>) target_semaphore(%arg9 : memref<!tpu.dma_semaphore, #tpu.memory_space<semaphore_mem>>)
      } else {
      }
      %lt3A_60 = arith.constant 976 : i32
      %lt3A_61 = arith.cmpi slt, %add3A_47, %lt3A_60 : i32
      %convert_element_type3A_62 = arith.extui %lt3A_61 : i1 to i32
      %cond3A_63 = arith.constant 0 : i32
      %cond3A_64 = arith.cmpi ne, %convert_element_type3A_62, %cond3A_63 : i32
      scf.if %cond3A_64 {
        %dma_wait3A_72 = arith.constant 0 : i32
        %dma_wait3A_73 = arith.constant 0 : i32
        %dma_wait3A_74 = tpu.memref_slice %arg6[%dma_wait3A_72, %dma_wait3A_73] : memref<16x1032xf32, #tpu.memory_space<vmem>> -> memref<16x1024xf32, #tpu.memory_space<vmem>>
        %dma_wait3A_75 = arith.constant 0 : i32
        %dma_wait3A_76 = arith.constant 0 : i32
        %dma_wait3A_77 = tpu.memref_slice %arg2[%dma_wait3A_75, %dma_wait3A_76] : memref<16x1000000xf32, #tpu.memory_space<hbm>> -> memref<16x1024xf32, #tpu.memory_space<hbm>>
        %dma_wait3A_78 = arith.constant 0 : i32
        %dma_wait3A_79 = arith.constant 0 : i32
        %dma_wait3A_80 = tpu.memref_slice %arg6[%dma_wait3A_78, %dma_wait3A_79] : memref<16x1032xf32, #tpu.memory_space<vmem>> -> memref<16x1024xf32, #tpu.memory_space<vmem>>
        %dma_wait3A_81 = arith.constant 0 : i32
        %dma_wait3A_82 = arith.constant 0 : i32
        %dma_wait3A_83 = tpu.memref_slice %arg2[%dma_wait3A_81, %dma_wait3A_82] : memref<16x1000000xf32, #tpu.memory_space<hbm>> -> memref<16x1024xf32, #tpu.memory_space<hbm>>
        tpu.wait_dma2 semaphore(%arg10 : memref<!tpu.dma_semaphore, #tpu.memory_space<semaphore_mem>>) src(%dma_wait3A_83 : memref<16x1024xf32, #tpu.memory_space<hbm>>) dst(%dma_wait3A_80 : memref<16x1024xf32, #tpu.memory_space<vmem>>)
        %eq3A_84 = arith.constant 0 : i32
        %eq3A_85 = arith.cmpi eq, %scan3A_35, %eq3A_84 : i32
        %not3A = arith.constant true
        %not3A_86 = arith.xori %eq3A_85, %not3A : i1
        %convert_element_type3A_87 = arith.extui %not3A_86 : i1 to i32
        %cond3A_88 = arith.constant 0 : i32
        %cond3A_89 = arith.cmpi ne, %convert_element_type3A_87, %cond3A_88 : i32
        scf.if %cond3A_89 {
          %dma_wait3A_100 = arith.constant 0 : i32
          %dma_wait3A_101 = tpu.memref_slice %arg4[%dma_wait3A_100] : memref<16000000xf32, #tpu.memory_space<hbm>> -> memref<16384xf32, #tpu.memory_space<hbm>>
          %dma_wait3A_102 = arith.constant 0 : i32
          %dma_wait3A_103 = tpu.memref_slice %arg4[%dma_wait3A_102] : memref<16000000xf32, #tpu.memory_space<hbm>> -> memref<16384xf32, #tpu.memory_space<hbm>>
          tpu.wait_dma2 semaphore(%arg12 : memref<!tpu.dma_semaphore, #tpu.memory_space<semaphore_mem>>) src(%arg8 : memref<16384xf32, #tpu.memory_space<vmem>>) dst(%dma_wait3A_103 : memref<16384xf32, #tpu.memory_space<hbm>>)
        } else {
        }
        %scan3A_90 = arith.constant 0 : i32
        %scan3A_91 = arith.constant 0 : i32
        %scan3A_92 = arith.constant 64 : i32
        %scan3A_93 = arith.addi %scan3A_91, %scan3A_92 : i32
        %scan3A_94 = arith.constant 1 : i32
        scf.for %scan3A_100 = %scan3A_91 to %scan3A_93 step %scan3A_94  : i32 {
          %broadcast_in_dim3A = arith.constant 0.000000e+00 : f32
          %broadcast_in_dim3A_101 = vector.broadcast %broadcast_in_dim3A : f32 to vector<16xf32>
          %mul3A_102 = arith.constant 16 : i32
          %mul3A_103 = arith.muli %scan3A_100, %mul3A_102 : i32
          %get3A = arith.constant 0 : i32
          %get3A_104 = arith.index_cast %get3A : i32 to index
          %get3A_105 = arith.index_cast %mul3A_103 : i32 to index
          %get3A_106 = tpu.vector_load %arg6[%get3A_104, %get3A_105] {strides = array<i32>} : memref<16x1032xf32, #tpu.memory_space<vmem>>, vector<16xf32>,
          %mul3A_107 = arith.mulf %get3A_106, %get3A_106 : vector<16xf32>
          %add3A_108 = arith.addf %broadcast_in_dim3A_101, %mul3A_107 : vector<16xf32>
          %mul3A_109 = arith.constant 16 : i32
          %mul3A_110 = arith.muli %scan3A_100, %mul3A_109 : i32
          %get3A_111 = arith.constant 1 : i32
          %get3A_112 = arith.index_cast %get3A_111 : i32 to index
          %get3A_113 = arith.index_cast %mul3A_110 : i32 to index
          %get3A_114 = tpu.vector_load %arg6[%get3A_112, %get3A_113] {strides = array<i32>} : memref<16x1032xf32, #tpu.memory_space<vmem>>, vector<16xf32>,
          %mul3A_115 = arith.mulf %get3A_114, %get3A_114 : vector<16xf32>
          %add3A_116 = arith.addf %add3A_108, %mul3A_115 : vector<16xf32>
          %mul3A_117 = arith.constant 16 : i32
          %mul3A_118 = arith.muli %scan3A_100, %mul3A_117 : i32
          %get3A_119 = arith.constant 2 : i32
          %get3A_120 = arith.index_cast %get3A_119 : i32 to index
          %get3A_121 = arith.index_cast %mul3A_118 : i32 to index
          %get3A_122 = tpu.vector_load %arg6[%get3A_120, %get3A_121] {strides = array<i32>} : memref<16x1032xf32, #tpu.memory_space<vmem>>, vector<16xf32>,
          %mul3A_123 = arith.mulf %get3A_122, %get3A_122 : vector<16xf32>
          %add3A_124 = arith.addf %add3A_116, %mul3A_123 : vector<16xf32>
          %mul3A_125 = arith.constant 16 : i32
          %mul3A_126 = arith.muli %scan3A_100, %mul3A_125 : i32
          %get3A_127 = arith.constant 3 : i32
          %get3A_128 = arith.index_cast %get3A_127 : i32 to index
          %get3A_129 = arith.index_cast %mul3A_126 : i32 to index
          %get3A_130 = tpu.vector_load %arg6[%get3A_128, %get3A_129] {strides = array<i32>} : memref<16x1032xf32, #tpu.memory_space<vmem>>, vector<16xf32>,
          %mul3A_131 = arith.mulf %get3A_130, %get3A_130 : vector<16xf32>
          %add3A_132 = arith.addf %add3A_124, %mul3A_131 : vector<16xf32>
          %mul3A_133 = arith.constant 16 : i32
          %mul3A_134 = arith.muli %scan3A_100, %mul3A_133 : i32
          %get3A_135 = arith.constant 4 : i32
          %get3A_136 = arith.index_cast %get3A_135 : i32 to index
          %get3A_137 = arith.index_cast %mul3A_134 : i32 to index
          %get3A_138 = tpu.vector_load %arg6[%get3A_136, %get3A_137] {strides = array<i32>} : memref<16x1032xf32, #tpu.memory_space<vmem>>, vector<16xf32>,
          %mul3A_139 = arith.mulf %get3A_138, %get3A_138 : vector<16xf32>
          %add3A_140 = arith.addf %add3A_132, %mul3A_139 : vector<16xf32>
          %mul3A_141 = arith.constant 16 : i32
          %mul3A_142 = arith.muli %scan3A_100, %mul3A_141 : i32
          %get3A_143 = arith.constant 5 : i32
          %get3A_144 = arith.index_cast %get3A_143 : i32 to index
          %get3A_145 = arith.index_cast %mul3A_142 : i32 to index
          %get3A_146 = tpu.vector_load %arg6[%get3A_144, %get3A_145] {strides = array<i32>} : memref<16x1032xf32, #tpu.memory_space<vmem>>, vector<16xf32>,
          %mul3A_147 = arith.mulf %get3A_146, %get3A_146 : vector<16xf32>
          %add3A_148 = arith.addf %add3A_140, %mul3A_147 : vector<16xf32>
          %mul3A_149 = arith.constant 16 : i32
          %mul3A_150 = arith.muli %scan3A_100, %mul3A_149 : i32
          %get3A_151 = arith.constant 6 : i32
          %get3A_152 = arith.index_cast %get3A_151 : i32 to index
          %get3A_153 = arith.index_cast %mul3A_150 : i32 to index
          %get3A_154 = tpu.vector_load %arg6[%get3A_152, %get3A_153] {strides = array<i32>} : memref<16x1032xf32, #tpu.memory_space<vmem>>, vector<16xf32>,
          %mul3A_155 = arith.mulf %get3A_154, %get3A_154 : vector<16xf32>
          %add3A_156 = arith.addf %add3A_148, %mul3A_155 : vector<16xf32>
          %mul3A_157 = arith.constant 16 : i32
          %mul3A_158 = arith.muli %scan3A_100, %mul3A_157 : i32
          %get3A_159 = arith.constant 7 : i32
          %get3A_160 = arith.index_cast %get3A_159 : i32 to index
          %get3A_161 = arith.index_cast %mul3A_158 : i32 to index
          %get3A_162 = tpu.vector_load %arg6[%get3A_160, %get3A_161] {strides = array<i32>} : memref<16x1032xf32, #tpu.memory_space<vmem>>, vector<16xf32>,
          %mul3A_163 = arith.mulf %get3A_162, %get3A_162 : vector<16xf32>
          %add3A_164 = arith.addf %add3A_156, %mul3A_163 : vector<16xf32>
          %mul3A_165 = arith.constant 16 : i32
          %mul3A_166 = arith.muli %scan3A_100, %mul3A_165 : i32
          %get3A_167 = arith.constant 8 : i32
          %get3A_168 = arith.index_cast %get3A_167 : i32 to index
          %get3A_169 = arith.index_cast %mul3A_166 : i32 to index
          %get3A_170 = tpu.vector_load %arg6[%get3A_168, %get3A_169] {strides = array<i32>} : memref<16x1032xf32, #tpu.memory_space<vmem>>, vector<16xf32>,
          %mul3A_171 = arith.mulf %get3A_170, %get3A_170 : vector<16xf32>
          %add3A_172 = arith.addf %add3A_164, %mul3A_171 : vector<16xf32>
          %mul3A_173 = arith.constant 16 : i32
          %mul3A_174 = arith.muli %scan3A_100, %mul3A_173 : i32
          %get3A_175 = arith.constant 9 : i32
          %get3A_176 = arith.index_cast %get3A_175 : i32 to index
          %get3A_177 = arith.index_cast %mul3A_174 : i32 to index
          %get3A_178 = tpu.vector_load %arg6[%get3A_176, %get3A_177] {strides = array<i32>} : memref<16x1032xf32, #tpu.memory_space<vmem>>, vector<16xf32>,
          %mul3A_179 = arith.mulf %get3A_178, %get3A_178 : vector<16xf32>
          %add3A_180 = arith.addf %add3A_172, %mul3A_179 : vector<16xf32>
          %mul3A_181 = arith.constant 16 : i32
          %mul3A_182 = arith.muli %scan3A_100, %mul3A_181 : i32
          %get3A_183 = arith.constant 10 : i32
          %get3A_184 = arith.index_cast %get3A_183 : i32 to index
          %get3A_185 = arith.index_cast %mul3A_182 : i32 to index
          %get3A_186 = tpu.vector_load %arg6[%get3A_184, %get3A_185] {strides = array<i32>} : memref<16x1032xf32, #tpu.memory_space<vmem>>, vector<16xf32>,
          %mul3A_187 = arith.mulf %get3A_186, %get3A_186 : vector<16xf32>
          %add3A_188 = arith.addf %add3A_180, %mul3A_187 : vector<16xf32>
          %mul3A_189 = arith.constant 16 : i32
          %mul3A_190 = arith.muli %scan3A_100, %mul3A_189 : i32
          %get3A_191 = arith.constant 11 : i32
          %get3A_192 = arith.index_cast %get3A_191 : i32 to index
          %get3A_193 = arith.index_cast %mul3A_190 : i32 to index
          %get3A_194 = tpu.vector_load %arg6[%get3A_192, %get3A_193] {strides = array<i32>} : memref<16x1032xf32, #tpu.memory_space<vmem>>, vector<16xf32>,
          %mul3A_195 = arith.mulf %get3A_194, %get3A_194 : vector<16xf32>
          %add3A_196 = arith.addf %add3A_188, %mul3A_195 : vector<16xf32>
          %mul3A_197 = arith.constant 16 : i32
          %mul3A_198 = arith.muli %scan3A_100, %mul3A_197 : i32
          %get3A_199 = arith.constant 12 : i32
          %get3A_200 = arith.index_cast %get3A_199 : i32 to index
          %get3A_201 = arith.index_cast %mul3A_198 : i32 to index
          %get3A_202 = tpu.vector_load %arg6[%get3A_200, %get3A_201] {strides = array<i32>} : memref<16x1032xf32, #tpu.memory_space<vmem>>, vector<16xf32>,
          %mul3A_203 = arith.mulf %get3A_202, %get3A_202 : vector<16xf32>
          %add3A_204 = arith.addf %add3A_196, %mul3A_203 : vector<16xf32>
          %mul3A_205 = arith.constant 16 : i32
          %mul3A_206 = arith.muli %scan3A_100, %mul3A_205 : i32
          %get3A_207 = arith.constant 13 : i32
          %get3A_208 = arith.index_cast %get3A_207 : i32 to index
          %get3A_209 = arith.index_cast %mul3A_206 : i32 to index
          %get3A_210 = tpu.vector_load %arg6[%get3A_208, %get3A_209] {strides = array<i32>} : memref<16x1032xf32, #tpu.memory_space<vmem>>, vector<16xf32>,
          %mul3A_211 = arith.mulf %get3A_210, %get3A_210 : vector<16xf32>
          %add3A_212 = arith.addf %add3A_204, %mul3A_211 : vector<16xf32>
          %mul3A_213 = arith.constant 16 : i32
          %mul3A_214 = arith.muli %scan3A_100, %mul3A_213 : i32
          %get3A_215 = arith.constant 14 : i32
          %get3A_216 = arith.index_cast %get3A_215 : i32 to index
          %get3A_217 = arith.index_cast %mul3A_214 : i32 to index
          %get3A_218 = tpu.vector_load %arg6[%get3A_216, %get3A_217] {strides = array<i32>} : memref<16x1032xf32, #tpu.memory_space<vmem>>, vector<16xf32>,
          %mul3A_219 = arith.mulf %get3A_218, %get3A_218 : vector<16xf32>
          %add3A_220 = arith.addf %add3A_212, %mul3A_219 : vector<16xf32>
          %mul3A_221 = arith.constant 16 : i32
          %mul3A_222 = arith.muli %scan3A_100, %mul3A_221 : i32
          %get3A_223 = arith.constant 15 : i32
          %get3A_224 = arith.index_cast %get3A_223 : i32 to index
          %get3A_225 = arith.index_cast %mul3A_222 : i32 to index
          %get3A_226 = tpu.vector_load %arg6[%get3A_224, %get3A_225] {strides = array<i32>} : memref<16x1032xf32, #tpu.memory_space<vmem>>, vector<16xf32>,
          %mul3A_227 = arith.mulf %get3A_226, %get3A_226 : vector<16xf32>
          %add3A_228 = arith.addf %add3A_220, %mul3A_227 : vector<16xf32>
          %bitcast_convert_type3A = tpu.bitcast %add3A_228 : vector<16xf32> -> vector<16xi32>
          %shift_right_arithmetic3A = arith.constant 1 : i32
          %shift_right_arithmetic3A_229 = vector.broadcast %shift_right_arithmetic3A : i32 to vector<16xi32>
          %shift_right_arithmetic3A_230 = arith.shrsi %bitcast_convert_type3A, %shift_right_arithmetic3A_229 : vector<16xi32>
          %sub3A = arith.constant 1597463007 : i32
          %sub3A_231 = vector.broadcast %sub3A : i32 to vector<16xi32>
          %sub3A_232 = arith.subi %sub3A_231, %shift_right_arithmetic3A_230 : vector<16xi32>
          %bitcast_convert_type3A_233 = tpu.bitcast %sub3A_232 : vector<16xi32> -> vector<16xf32>
          %mul3A_234 = arith.constant 5.000000e-01 : f32
          %mul3A_235 = vector.broadcast %mul3A_234 : f32 to vector<16xf32>
          %mul3A_236 = arith.mulf %mul3A_235, %add3A_228 : vector<16xf32>
          %mul3A_237 = arith.mulf %mul3A_236, %bitcast_convert_type3A_233 : vector<16xf32>
          %mul3A_238 = arith.mulf %mul3A_237, %bitcast_convert_type3A_233 : vector<16xf32>
          %sub3A_239 = arith.constant 1.500000e+00 : f32
          %sub3A_240 = vector.broadcast %sub3A_239 : f32 to vector<16xf32>
          %sub3A_241 = arith.subf %sub3A_240, %mul3A_238 : vector<16xf32>
          %mul3A_242 = arith.mulf %bitcast_convert_type3A_233, %sub3A_241 : vector<16xf32>
          %mul3A_243 = arith.constant 5.000000e-01 : f32
          %mul3A_244 = vector.broadcast %mul3A_243 : f32 to vector<16xf32>
          %mul3A_245 = arith.mulf %mul3A_244, %add3A_228 : vector<16xf32>
          %mul3A_246 = arith.mulf %mul3A_245, %mul3A_242 : vector<16xf32>
          %mul3A_247 = arith.mulf %mul3A_246, %mul3A_242 : vector<16xf32>
          %sub3A_248 = arith.constant 1.500000e+00 : f32
          %sub3A_249 = vector.broadcast %sub3A_248 : f32 to vector<16xf32>
          %sub3A_250 = arith.subf %sub3A_249, %mul3A_247 : vector<16xf32>
          %mul3A_251 = arith.mulf %mul3A_242, %sub3A_250 : vector<16xf32>
          %min3A = arith.constant 1.000000e+00 : f32
          %min3A_252 = vector.broadcast %min3A : f32 to vector<16xf32>
          %min3A_253 = arith.minimumf %min3A_252, %mul3A_251 : vector<16xf32>
          %mul3A_254 = arith.constant 256 : i32
          %mul3A_255 = arith.muli %scan3A_100, %mul3A_254 : i32
          %add3A_256 = arith.constant 0 : i32
          %add3A_257 = arith.addi %mul3A_255, %add3A_256 : i32
          %broadcast_in_dim3A_258 = vector.broadcast %add3A_257 : i32 to vector<16xi32>
          %add3A_259 = arith.addi %mul3A_3, %broadcast_in_dim3A_258 : vector<16xi32>
          %mul3A_260 = arith.mulf %get3A_106, %min3A_253 : vector<16xf32>
          tpu.vector_store_idx %arg8[%add3A_259], %mul3A_260 : memref<16384xf32, #tpu.memory_space<vmem>>[vector<16xi32>], vector<16xf32>,
          %mul3A_261 = arith.constant 256 : i32
          %mul3A_262 = arith.muli %scan3A_100, %mul3A_261 : i32
          %add3A_263 = arith.constant 1 : i32
          %add3A_264 = arith.addi %mul3A_262, %add3A_263 : i32
          %broadcast_in_dim3A_265 = vector.broadcast %add3A_264 : i32 to vector<16xi32>
          %add3A_266 = arith.addi %mul3A_3, %broadcast_in_dim3A_265 : vector<16xi32>
          %mul3A_267 = arith.mulf %get3A_114, %min3A_253 : vector<16xf32>
          tpu.vector_store_idx %arg8[%add3A_266], %mul3A_267 : memref<16384xf32, #tpu.memory_space<vmem>>[vector<16xi32>], vector<16xf32>,
          %mul3A_268 = arith.constant 256 : i32
          %mul3A_269 = arith.muli %scan3A_100, %mul3A_268 : i32
          %add3A_270 = arith.constant 2 : i32
          %add3A_271 = arith.addi %mul3A_269, %add3A_270 : i32
          %broadcast_in_dim3A_272 = vector.broadcast %add3A_271 : i32 to vector<16xi32>
          %add3A_273 = arith.addi %mul3A_3, %broadcast_in_dim3A_272 : vector<16xi32>
          %mul3A_274 = arith.mulf %get3A_122, %min3A_253 : vector<16xf32>
          tpu.vector_store_idx %arg8[%add3A_273], %mul3A_274 : memref<16384xf32, #tpu.memory_space<vmem>>[vector<16xi32>], vector<16xf32>,
          %mul3A_275 = arith.constant 256 : i32
          %mul3A_276 = arith.muli %scan3A_100, %mul3A_275 : i32
          %add3A_277 = arith.constant 3 : i32
          %add3A_278 = arith.addi %mul3A_276, %add3A_277 : i32
          %broadcast_in_dim3A_279 = vector.broadcast %add3A_278 : i32 to vector<16xi32>
          %add3A_280 = arith.addi %mul3A_3, %broadcast_in_dim3A_279 : vector<16xi32>
          %mul3A_281 = arith.mulf %get3A_130, %min3A_253 : vector<16xf32>
          tpu.vector_store_idx %arg8[%add3A_280], %mul3A_281 : memref<16384xf32, #tpu.memory_space<vmem>>[vector<16xi32>], vector<16xf32>,
          %mul3A_282 = arith.constant 256 : i32
          %mul3A_283 = arith.muli %scan3A_100, %mul3A_282 : i32
          %add3A_284 = arith.constant 4 : i32
          %add3A_285 = arith.addi %mul3A_283, %add3A_284 : i32
          %broadcast_in_dim3A_286 = vector.broadcast %add3A_285 : i32 to vector<16xi32>
          %add3A_287 = arith.addi %mul3A_3, %broadcast_in_dim3A_286 : vector<16xi32>
          %mul3A_288 = arith.mulf %get3A_138, %min3A_253 : vector<16xf32>
          tpu.vector_store_idx %arg8[%add3A_287], %mul3A_288 : memref<16384xf32, #tpu.memory_space<vmem>>[vector<16xi32>], vector<16xf32>,
          %mul3A_289 = arith.constant 256 : i32
          %mul3A_290 = arith.muli %scan3A_100, %mul3A_289 : i32
          %add3A_291 = arith.constant 5 : i32
          %add3A_292 = arith.addi %mul3A_290, %add3A_291 : i32
          %broadcast_in_dim3A_293 = vector.broadcast %add3A_292 : i32 to vector<16xi32>
          %add3A_294 = arith.addi %mul3A_3, %broadcast_in_dim3A_293 : vector<16xi32>
          %mul3A_295 = arith.mulf %get3A_146, %min3A_253 : vector<16xf32>
          tpu.vector_store_idx %arg8[%add3A_294], %mul3A_295 : memref<16384xf32, #tpu.memory_space<vmem>>[vector<16xi32>], vector<16xf32>,
          %mul3A_296 = arith.constant 256 : i32
          %mul3A_297 = arith.muli %scan3A_100, %mul3A_296 : i32
          %add3A_298 = arith.constant 6 : i32
          %add3A_299 = arith.addi %mul3A_297, %add3A_298 : i32
          %broadcast_in_dim3A_300 = vector.broadcast %add3A_299 : i32 to vector<16xi32>
          %add3A_301 = arith.addi %mul3A_3, %broadcast_in_dim3A_300 : vector<16xi32>
          %mul3A_302 = arith.mulf %get3A_154, %min3A_253 : vector<16xf32>
          tpu.vector_store_idx %arg8[%add3A_301], %mul3A_302 : memref<16384xf32, #tpu.memory_space<vmem>>[vector<16xi32>], vector<16xf32>,
          %mul3A_303 = arith.constant 256 : i32
          %mul3A_304 = arith.muli %scan3A_100, %mul3A_303 : i32
          %add3A_305 = arith.constant 7 : i32
          %add3A_306 = arith.addi %mul3A_304, %add3A_305 : i32
          %broadcast_in_dim3A_307 = vector.broadcast %add3A_306 : i32 to vector<16xi32>
          %add3A_308 = arith.addi %mul3A_3, %broadcast_in_dim3A_307 : vector<16xi32>
          %mul3A_309 = arith.mulf %get3A_162, %min3A_253 : vector<16xf32>
          tpu.vector_store_idx %arg8[%add3A_308], %mul3A_309 : memref<16384xf32, #tpu.memory_space<vmem>>[vector<16xi32>], vector<16xf32>,
          %mul3A_310 = arith.constant 256 : i32
          %mul3A_311 = arith.muli %scan3A_100, %mul3A_310 : i32
          %add3A_312 = arith.constant 8 : i32
          %add3A_313 = arith.addi %mul3A_311, %add3A_312 : i32
          %broadcast_in_dim3A_314 = vector.broadcast %add3A_313 : i32 to vector<16xi32>
          %add3A_315 = arith.addi %mul3A_3, %broadcast_in_dim3A_314 : vector<16xi32>
          %mul3A_316 = arith.mulf %get3A_170, %min3A_253 : vector<16xf32>
          tpu.vector_store_idx %arg8[%add3A_315], %mul3A_316 : memref<16384xf32, #tpu.memory_space<vmem>>[vector<16xi32>], vector<16xf32>,
          %mul3A_317 = arith.constant 256 : i32
          %mul3A_318 = arith.muli %scan3A_100, %mul3A_317 : i32
          %add3A_319 = arith.constant 9 : i32
          %add3A_320 = arith.addi %mul3A_318, %add3A_319 : i32
          %broadcast_in_dim3A_321 = vector.broadcast %add3A_320 : i32 to vector<16xi32>
          %add3A_322 = arith.addi %mul3A_3, %broadcast_in_dim3A_321 : vector<16xi32>
          %mul3A_323 = arith.mulf %get3A_178, %min3A_253 : vector<16xf32>
          tpu.vector_store_idx %arg8[%add3A_322], %mul3A_323 : memref<16384xf32, #tpu.memory_space<vmem>>[vector<16xi32>], vector<16xf32>,
          %mul3A_324 = arith.constant 256 : i32
          %mul3A_325 = arith.muli %scan3A_100, %mul3A_324 : i32
          %add3A_326 = arith.constant 10 : i32
          %add3A_327 = arith.addi %mul3A_325, %add3A_326 : i32
          %broadcast_in_dim3A_328 = vector.broadcast %add3A_327 : i32 to vector<16xi32>
          %add3A_329 = arith.addi %mul3A_3, %broadcast_in_dim3A_328 : vector<16xi32>
          %mul3A_330 = arith.mulf %get3A_186, %min3A_253 : vector<16xf32>
          tpu.vector_store_idx %arg8[%add3A_329], %mul3A_330 : memref<16384xf32, #tpu.memory_space<vmem>>[vector<16xi32>], vector<16xf32>,
          %mul3A_331 = arith.constant 256 : i32
          %mul3A_332 = arith.muli %scan3A_100, %mul3A_331 : i32
          %add3A_333 = arith.constant 11 : i32
          %add3A_334 = arith.addi %mul3A_332, %add3A_333 : i32
          %broadcast_in_dim3A_335 = vector.broadcast %add3A_334 : i32 to vector<16xi32>
          %add3A_336 = arith.addi %mul3A_3, %broadcast_in_dim3A_335 : vector<16xi32>
          %mul3A_337 = arith.mulf %get3A_194, %min3A_253 : vector<16xf32>
          tpu.vector_store_idx %arg8[%add3A_336], %mul3A_337 : memref<16384xf32, #tpu.memory_space<vmem>>[vector<16xi32>], vector<16xf32>,
          %mul3A_338 = arith.constant 256 : i32
          %mul3A_339 = arith.muli %scan3A_100, %mul3A_338 : i32
          %add3A_340 = arith.constant 12 : i32
          %add3A_341 = arith.addi %mul3A_339, %add3A_340 : i32
          %broadcast_in_dim3A_342 = vector.broadcast %add3A_341 : i32 to vector<16xi32>
          %add3A_343 = arith.addi %mul3A_3, %broadcast_in_dim3A_342 : vector<16xi32>
          %mul3A_344 = arith.mulf %get3A_202, %min3A_253 : vector<16xf32>
          tpu.vector_store_idx %arg8[%add3A_343], %mul3A_344 : memref<16384xf32, #tpu.memory_space<vmem>>[vector<16xi32>], vector<16xf32>,
          %mul3A_345 = arith.constant 256 : i32
          %mul3A_346 = arith.muli %scan3A_100, %mul3A_345 : i32
          %add3A_347 = arith.constant 13 : i32
          %add3A_348 = arith.addi %mul3A_346, %add3A_347 : i32
          %broadcast_in_dim3A_349 = vector.broadcast %add3A_348 : i32 to vector<16xi32>
          %add3A_350 = arith.addi %mul3A_3, %broadcast_in_dim3A_349 : vector<16xi32>
          %mul3A_351 = arith.mulf %get3A_210, %min3A_253 : vector<16xf32>
          tpu.vector_store_idx %arg8[%add3A_350], %mul3A_351 : memref<16384xf32, #tpu.memory_space<vmem>>[vector<16xi32>], vector<16xf32>,
          %mul3A_352 = arith.constant 256 : i32
          %mul3A_353 = arith.muli %scan3A_100, %mul3A_352 : i32
          %add3A_354 = arith.constant 14 : i32
          %add3A_355 = arith.addi %mul3A_353, %add3A_354 : i32
          %broadcast_in_dim3A_356 = vector.broadcast %add3A_355 : i32 to vector<16xi32>
          %add3A_357 = arith.addi %mul3A_3, %broadcast_in_dim3A_356 : vector<16xi32>
          %mul3A_358 = arith.mulf %get3A_218, %min3A_253 : vector<16xf32>
          tpu.vector_store_idx %arg8[%add3A_357], %mul3A_358 : memref<16384xf32, #tpu.memory_space<vmem>>[vector<16xi32>], vector<16xf32>,
          %mul3A_359 = arith.constant 256 : i32
          %mul3A_360 = arith.muli %scan3A_100, %mul3A_359 : i32
          %add3A_361 = arith.constant 15 : i32
          %add3A_362 = arith.addi %mul3A_360, %add3A_361 : i32
          %broadcast_in_dim3A_363 = vector.broadcast %add3A_362 : i32 to vector<16xi32>
          %add3A_364 = arith.addi %mul3A_3, %broadcast_in_dim3A_363 : vector<16xi32>
          %mul3A_365 = arith.mulf %get3A_226, %min3A_253 : vector<16xf32>
          tpu.vector_store_idx %arg8[%add3A_364], %mul3A_365 : memref<16384xf32, #tpu.memory_space<vmem>>[vector<16xi32>], vector<16xf32>,
        }
        %scan3A_95 = arith.constant 64 : i32
        %mul3A_96 = arith.constant 16384 : i32
        %mul3A_97 = arith.muli %add3A_47, %mul3A_96 : i32
        %dma_start3A_98 = tpu.memref_slice %arg4[%mul3A_97] : memref<16000000xf32, #tpu.memory_space<hbm>> -> memref<16384xf32, #tpu.memory_space<hbm>>
        %dma_start3A_99 = tpu.memref_slice %arg4[%mul3A_97] : memref<16000000xf32, #tpu.memory_space<hbm>> -> memref<16384xf32, #tpu.memory_space<hbm>>
        tpu.enqueue_dma source(%arg8 : memref<16384xf32, #tpu.memory_space<vmem>>) target(%dma_start3A_99 : memref<16384xf32, #tpu.memory_space<hbm>>) target_semaphore(%arg12 : memref<!tpu.dma_semaphore, #tpu.memory_space<semaphore_mem>>)
      } else {
      }
      %add3A_65 = arith.constant 64 : i32
      %add3A_66 = arith.addi %add3A_47, %add3A_65 : i32
      %lt3A_67 = arith.constant 976 : i32
      %lt3A_68 = arith.cmpi slt, %add3A_66, %lt3A_67 : i32
      %convert_element_type3A_69 = arith.extui %lt3A_68 : i1 to i32
      %cond3A_70 = arith.constant 0 : i32
      %cond3A_71 = arith.cmpi ne, %convert_element_type3A_69, %cond3A_70 : i32
      scf.if %cond3A_71 {
        %add3A_72 = arith.constant 64 : i32
        %add3A_73 = arith.addi %add3A_47, %add3A_72 : i32
        %mul3A_74 = arith.constant 1024 : i32
        %mul3A_75 = arith.muli %add3A_73, %mul3A_74 : i32
        %dma_start3A_76 = arith.constant 0 : i32
        %dma_start3A_77 = arith.constant 0 : i32
        %dma_start3A_78 = tpu.memref_slice %arg6[%dma_start3A_76, %dma_start3A_77] : memref<16x1032xf32, #tpu.memory_space<vmem>> -> memref<16x1024xf32, #tpu.memory_space<vmem>>
        %dma_start3A_79 = arith.constant 0 : i32
        %dma_start3A_80 = tpu.memref_slice %arg2[%dma_start3A_79, %mul3A_75] : memref<16x1000000xf32, #tpu.memory_space<hbm>> -> memref<16x1024xf32, #tpu.memory_space<hbm>>
        %dma_start3A_81 = arith.constant 0 : i32
        %dma_start3A_82 = arith.constant 0 : i32
        %dma_start3A_83 = tpu.memref_slice %arg6[%dma_start3A_81, %dma_start3A_82] : memref<16x1032xf32, #tpu.memory_space<vmem>> -> memref<16x1024xf32, #tpu.memory_space<vmem>>
        %dma_start3A_84 = arith.constant 0 : i32
        %dma_start3A_85 = tpu.memref_slice %arg2[%dma_start3A_84, %mul3A_75] : memref<16x1000000xf32, #tpu.memory_space<hbm>> -> memref<16x1024xf32, #tpu.memory_space<hbm>>
        tpu.enqueue_dma source(%dma_start3A_85 : memref<16x1024xf32, #tpu.memory_space<hbm>>) target(%dma_start3A_83 : memref<16x1024xf32, #tpu.memory_space<vmem>>) target_semaphore(%arg10 : memref<!tpu.dma_semaphore, #tpu.memory_space<semaphore_mem>>)
      } else {
      }
    }
    %scan3A_23 = arith.constant 16 : i32
    %dma_wait3A = arith.constant 0 : i32
    %dma_wait3A_24 = tpu.memref_slice %arg4[%dma_wait3A] : memref<16000000xf32, #tpu.memory_space<hbm>> -> memref<16384xf32, #tpu.memory_space<hbm>>
    %dma_wait3A_25 = arith.constant 0 : i32
    %dma_wait3A_26 = tpu.memref_slice %arg4[%dma_wait3A_25] : memref<16000000xf32, #tpu.memory_space<hbm>> -> memref<16384xf32, #tpu.memory_space<hbm>>
    tpu.wait_dma2 semaphore(%arg11 : memref<!tpu.dma_semaphore, #tpu.memory_space<semaphore_mem>>) src(%arg7 : memref<16384xf32, #tpu.memory_space<vmem>>) dst(%dma_wait3A_26 : memref<16384xf32, #tpu.memory_space<hbm>>)
    %dma_wait3A_27 = arith.constant 0 : i32
    %dma_wait3A_28 = tpu.memref_slice %arg4[%dma_wait3A_27] : memref<16000000xf32, #tpu.memory_space<hbm>> -> memref<16384xf32, #tpu.memory_space<hbm>>
    %dma_wait3A_29 = arith.constant 0 : i32
    %dma_wait3A_30 = tpu.memref_slice %arg4[%dma_wait3A_29] : memref<16000000xf32, #tpu.memory_space<hbm>> -> memref<16384xf32, #tpu.memory_space<hbm>>
    tpu.wait_dma2 semaphore(%arg12 : memref<!tpu.dma_semaphore, #tpu.memory_space<semaphore_mem>>) src(%arg8 : memref<16384xf32, #tpu.memory_space<vmem>>) dst(%dma_wait3A_30 : memref<16384xf32, #tpu.memory_space<hbm>>)
    %eq3A = arith.constant 0 : i32
    %eq3A_31 = arith.cmpi eq, %add3A, %eq3A : i32
    %convert_element_type3A_32 = arith.extui %eq3A_31 : i1 to i32
    %cond3A_33 = arith.constant 0 : i32
    %cond3A_34 = arith.cmpi ne, %convert_element_type3A_32, %cond3A_33 : i32
    scf.if %cond3A_34 {
      "tpu.region"() ({
        %run_scoped3A = tpu.sem_alloc : memref<!tpu.dma_semaphore, #tpu.memory_space<semaphore_mem>>
        %dma_start3A_35 = arith.constant 0 : i32
        %dma_start3A_36 = tpu.memref_slice %arg7[%dma_start3A_35] : memref<16384xf32, #tpu.memory_space<vmem>> -> memref<9216xf32, #tpu.memory_space<vmem>>
        %dma_start3A_37 = arith.constant 0 : i32
        %dma_start3A_38 = tpu.memref_slice %arg7[%dma_start3A_37] : memref<16384xf32, #tpu.memory_space<vmem>> -> memref<9216xf32, #tpu.memory_space<vmem>>
        tpu.enqueue_dma source(%arg3 : memref<9216xf32, #tpu.memory_space<hbm>>) target(%dma_start3A_38 : memref<9216xf32, #tpu.memory_space<vmem>>) target_semaphore(%run_scoped3A : memref<!tpu.dma_semaphore, #tpu.memory_space<semaphore_mem>>)
        %dma_wait3A_39 = arith.constant 0 : i32
        %dma_wait3A_40 = tpu.memref_slice %arg7[%dma_wait3A_39] : memref<16384xf32, #tpu.memory_space<vmem>> -> memref<9216xf32, #tpu.memory_space<vmem>>
        %dma_wait3A_41 = arith.constant 0 : i32
        %dma_wait3A_42 = tpu.memref_slice %arg7[%dma_wait3A_41] : memref<16384xf32, #tpu.memory_space<vmem>> -> memref<9216xf32, #tpu.memory_space<vmem>>
        tpu.wait_dma2 semaphore(%run_scoped3A : memref<!tpu.dma_semaphore, #tpu.memory_space<semaphore_mem>>) src(%arg3 : memref<9216xf32, #tpu.memory_space<hbm>>) dst(%dma_wait3A_42 : memref<9216xf32, #tpu.memory_space<vmem>>)
        tpu.yield
      }) : () -> ()
      "tpu.region"() ({
        %run_scoped3A = tpu.sem_alloc : memref<!tpu.dma_semaphore, #tpu.memory_space<semaphore_mem>>
        %dma_start3A_35 = arith.constant 0 : i32
        %dma_start3A_36 = tpu.memref_slice %arg7[%dma_start3A_35] : memref<16384xf32, #tpu.memory_space<vmem>> -> memref<9216xf32, #tpu.memory_space<vmem>>
        %dma_start3A_37 = arith.constant 15990784 : i32
        %dma_start3A_38 = tpu.memref_slice %arg4[%dma_start3A_37] : memref<16000000xf32, #tpu.memory_space<hbm>> -> memref<9216xf32, #tpu.memory_space<hbm>>
        %dma_start3A_39 = arith.constant 15990784 : i32
        %dma_start3A_40 = tpu.memref_slice %arg4[%dma_start3A_39] : memref<16000000xf32, #tpu.memory_space<hbm>> -> memref<9216xf32, #tpu.memory_space<hbm>>
        %dma_start3A_41 = arith.constant 0 : i32
        %dma_start3A_42 = tpu.memref_slice %arg7[%dma_start3A_41] : memref<16384xf32, #tpu.memory_space<vmem>> -> memref<9216xf32, #tpu.memory_space<vmem>>
        tpu.enqueue_dma source(%dma_start3A_42 : memref<9216xf32, #tpu.memory_space<vmem>>) target(%dma_start3A_40 : memref<9216xf32, #tpu.memory_space<hbm>>) target_semaphore(%run_scoped3A : memref<!tpu.dma_semaphore, #tpu.memory_space<semaphore_mem>>)
        %dma_wait3A_43 = arith.constant 0 : i32
        %dma_wait3A_44 = tpu.memref_slice %arg7[%dma_wait3A_43] : memref<16384xf32, #tpu.memory_space<vmem>> -> memref<9216xf32, #tpu.memory_space<vmem>>
        %dma_wait3A_45 = arith.constant 15990784 : i32
        %dma_wait3A_46 = tpu.memref_slice %arg4[%dma_wait3A_45] : memref<16000000xf32, #tpu.memory_space<hbm>> -> memref<9216xf32, #tpu.memory_space<hbm>>
        %dma_wait3A_47 = arith.constant 15990784 : i32
        %dma_wait3A_48 = tpu.memref_slice %arg4[%dma_wait3A_47] : memref<16000000xf32, #tpu.memory_space<hbm>> -> memref<9216xf32, #tpu.memory_space<hbm>>
        %dma_wait3A_49 = arith.constant 0 : i32
        %dma_wait3A_50 = tpu.memref_slice %arg7[%dma_wait3A_49] : memref<16384xf32, #tpu.memory_space<vmem>> -> memref<9216xf32, #tpu.memory_space<vmem>>
        tpu.wait_dma2 semaphore(%run_scoped3A : memref<!tpu.dma_semaphore, #tpu.memory_space<semaphore_mem>>) src(%dma_wait3A_50 : memref<9216xf32, #tpu.memory_space<vmem>>) dst(%dma_wait3A_48 : memref<9216xf32, #tpu.memory_space<hbm>>)
        tpu.yield
      }) : () -> ()
    } else {
    }
    return
  }
}

</mosaic_0001>

<sc_bundles>
// kernel: _sc_repack.3.cloned.1.call-start
scs
__scs_entry_jumppad:
0x0: {  	(pc) =	sbr.rel $0x88, $3  }
0x1: {  	(tag) =	ssettag $0x0;
	lr =	simm.s32 $0x1  }
0x2: {  	[smem:$0x3F9F] =	sst lr;
	_ =	strace $0xD0000000  }
0x3: {  	_ = 	snop  }
0x4: {  	_ = 	snop  }
0x5: {  	_ = 	snop  }
0x6: {  	_ = 	snop  }
0x7: {  	_ = 	snop  }
__scs_overlays_trampoline_lowered:
0x8: {  	[smem:$0x3FAE] =	sst s0  }
0x9: {  	[smem:$0x3FAF] =	sst s1  }
0xa: {  	[smem:$0x3FB0] =	sst s2  }
0xb: {  	[smem:$0x3FB1] =	sst s3  }
0xc: {  	[smem:$0x3FB2] =	sst s4  }
0xd: {  	[smem:$0x3FB3] =	sst s5  }
0xe: {  	[smem:$0x3FB4] =	sst s6  }
0xf: {  	[smem:$0x3FB5] =	sst s7  }
0x10: {  	[smem:$0x3FB6] =	sst s8  }
0x11: {  	[smem:$0x3FB7] =	sst s9;
	s0 =	simm.s32 @!p0 $0x0  }
0x12: {  	s1 =	sld [smem:$0x3F9D];
	s0 =	simm.s32 @p0 $0x1  }
0x13: {  	[smem:$0x3FB8] =	sst s0;
	s0 =	simm.s32 @!p1 $0x0  }
0x14: {  	s2 =	sld [smem:$0x3F9C];
	s0 =	simm.s32 @p1 $0x1  }
0x15: {  	[smem:$0x3FB9] =	sst s0;
	s0 =	simm.s32 @!p2 $0x0  }
0x16: {  	s3 =	sld [smem:$0x3FDB];
	s0 =	simm.s32 @p2 $0x1  }
0x17: {  	s4 =	simm.s32 $0x1BF5;
	[smem:$0x3FBB] =	sst s0  }
0x18: {  	s0 =	sld [smem:$0x3F9E];
	_ =	swait.ge [sflag:s4], $0x0  }
0x19: {  	s7 =	sld [smem:$0x3F9F]  }
0x1a: {  	s8 =	sadd.s32 $0xFFFFE003, lr  }
0x1b: {  	s9 =	sadd.s32 $0xFFFFFEF7, lr;
	s5 =	simm.s32 $0xFFFFFFFF;
	p2 =	slt.u32 s8, $0xFFFFF086  }
0x1c: {  	p1 =	slt.u32 s9, $0xF7A;
	s5 =	simm.s32 @!p2 $0x0  }
0x1d: {  	s5 =	simm.s32 @p1 $0x1;
	p0 =	seq.s32 s7, s2  }
0x1e: {  	s7 =	smul.u32 @!p0 $0xF7A, s2;
	p2 =	seq.s32 @!p0 s5, $0x0  }
0x1f: {  	s9 =	smul.u32 $0xF7A, s1;
	s8 =	simm.s32 @!p0 $0x1BF5;
	p2 =	por !p2, p0  }
0x20: {  	[sflag:s8] =	ssyncset.s32 @!p0 $0xFFFFF086;
	s6 =	sadd.s32 @!p0 s3, s7;
	s7 =	simm.s32 @!p0 $0x108  }
0x21: {  	s3 =	sadd.s32 s3, s9;
	s6 =	sadd.s32 @!p0 $0x88, s6;
	s7 =	simm.s32 @p2 $0x1082  }
0x22: {  	[simem:s7], [sflag:s8] =	dma.local @!p0 [hbm:s6], $0xF7A  }
0x23: {  	s9 =	sor.u32 $0xD0000000, s2;
	s6 =	simm.s32 $0x108;
	_ =	swait.ge @!p0 [sflag:s8], $0x0  }
0x24: {  	s3 =	sadd.s32 $0x88, s3;
	s6 =	simm.s32 @!p1 $0x1082;
	[sflag:s4] =	ssyncset.s32 $0xFFFFF086  }
0x25: {  	[simem:s6], [sflag:s4] =	dma.local [hbm:s3], $0xF7A  }
0x26: {  	[smem:$0x3F9F] =	sst s1;
	(tag) =	ssettag s2;
	_ =	strace s9  }
0x27: {  	s1 =	sld [smem:$0x3FAF]  }
0x28: {  	s2 =	sld [smem:$0x3FB0]  }
0x29: {  	s4 =	sld [smem:$0x3FB2]  }
0x2a: {  	p0 =	seq.s32 s5, $0x0;
	s5 =	sld [smem:$0x3FB3]  }
0x2b: {  	s6 =	sld [smem:$0x3FB4]  }
0x2c: {  	s7 =	sld [smem:$0x3FB5]  }
0x2d: {  	s3 =	simm.s32 $0x108;
	s8 =	sld [smem:$0x3FB6]  }
0x2e: {  	s3 =	simm.s32 @!p0 $0x1082;
	s9 =	sld [smem:$0x3FB7]  }
0x2f: {  	lr =	sadd.s32 s0, s3;
	s0 =	sld [smem:$0x3FAE]  }
0x30: {  	s3 =	sld [smem:$0x3FB1]  }
0x31: {  	[smem:$0x3FBA] =	sst s10  }
0x32: {  	s10 =	sld [smem:$0x3FB8];
	_ =	sdelay $0x3  }
0x33: {  	p0 =	seq.s32 s10, $0x1;
	s10 =	sld [smem:$0x3FBA];
	_ =	sdelay $0x3  }
0x34: {  	[smem:$0x3FBA] =	sst s10  }
0x35: {  	s10 =	sld [smem:$0x3FB9];
	_ =	sdelay $0x3  }
0x36: {  	p1 =	seq.s32 s10, $0x1;
	s10 =	sld [smem:$0x3FBA];
	_ =	sdelay $0x3  }
0x37: {  	[smem:$0x3FBA] =	sst s10  }
0x38: {  	s10 =	sld [smem:$0x3FBB]  }
0x39: {  	_ = 	snop;
	(pc) =	sbr.ind lr, $3  }
0x3a: {  	_ = 	snop  }
0x3b: {  	_ = 	snop  }
0x3c: {  	p2 =	seq.s32 s10, $0x1;
	s10 =	sld [smem:$0x3FBA]  }
0x3d: {  	_ =	shalt  }
0x3e: {  	_ =	shalt  }
0x3f: {  	_ =	shalt  }
0x40: {  	_ =	shalt  }
0x41: {  	_ =	shalt  }
0x42: {  	_ =	shalt  }
0x43: {  	_ =	shalt  }
0x44: {  	_ =	shalt  }
0x45: {  	_ =	shalt  }
0x46: {  	_ =	shalt  }
0x47: {  	_ =	shalt  }
0x48: {  	_ =	shalt  }
0x49: {  	_ =	shalt  }
0x4a: {  	_ =	shalt  }
0x4b: {  	_ =	shalt  }
0x4c: {  	_ =	shalt  }
0x4d: {  	_ =	shalt  }
0x4e: {  	_ =	shalt  }
0x4f: {  	_ =	shalt  }
0x50: {  	_ =	shalt  }
0x51: {  	_ =	shalt  }
0x52: {  	_ =	shalt  }
0x53: {  	_ =	shalt  }
0x54: {  	_ =	shalt  }
0x55: {  	_ =	shalt  }
0x56: {  	_ =	shalt  }
0x57: {  	_ =	shalt  }
0x58: {  	_ =	shalt  }
0x59: {  	_ =	shalt  }
0x5a: {  	_ =	shalt  }
0x5b: {  	_ =	shalt  }
0x5c: {  	_ =	shalt  }
0x5d: {  	_ =	shalt  }
0x5e: {  	_ =	shalt  }
0x5f: {  	_ =	shalt  }
0x60: {  	_ =	shalt  }
0x61: {  	_ =	shalt  }
0x62: {  	_ =	shalt  }
0x63: {  	_ =	shalt  }
0x64: {  	_ =	shalt  }
0x65: {  	_ =	shalt  }
0x66: {  	_ =	shalt  }
0x67: {  	_ =	shalt  }
0x68: {  	_ =	shalt  }
0x69: {  	_ =	shalt  }
0x6a: {  	_ =	shalt  }
0x6b: {  	_ =	shalt  }
0x6c: {  	_ =	shalt  }
0x6d: {  	_ =	shalt  }
0x6e: {  	_ =	shalt  }
0x6f: {  	_ =	shalt  }
0x70: {  	_ =	shalt  }
0x71: {  	_ =	shalt  }
0x72: {  	_ =	shalt  }
0x73: {  	_ =	shalt  }
0x74: {  	_ =	shalt  }
0x75: {  	_ =	shalt  }
0x76: {  	_ =	shalt  }
0x77: {  	_ =	shalt  }
0x78: {  	_ =	shalt  }
0x79: {  	_ =	shalt  }
0x7a: {  	_ =	shalt  }
0x7b: {  	_ =	shalt  }
0x7c: {  	_ =	shalt  }
0x7d: {  	_ =	shalt  }
0x7e: {  	_ =	shalt  }
0x7f: {  	_ =	shalt  }
0x80: {  	_ =	shalt  }
0x81: {  	_ =	shalt  }
0x82: {  	_ =	shalt  }
0x83: {  	_ =	shalt  }
0x84: {  	_ =	shalt  }
0x85: {  	_ =	shalt  }
0x86: {  	_ =	shalt  }
0x87: {  	_ =	shalt  }
.Lfunc_end0:
.L_simem_size_0:
called_computation_lowered:
.L_overlay_start_0:
0x88: {  	s2 =	sld [smem:$0x3FD9]  }
0x89: {  	s3 =	sld [smem:$0x3FFE];
	_ =	sdelay $0x1  }
0x8a: {  	s1 =	srdreg.scid  }
0x8b: {  	s0 =	sand.u32 $0x1, s1  }
0x8c: {  	s18 =	sshll.u32 s0, $0xA;
	s2 =	sadd.s32 s3, s2  }
0x8d: {  	s2 =	sadd.s32 s2, s18  }
0x8e: {  	[smem:$0x3FC6] =	sst s2  }
0x8f: {  	_ = 	snop  }
0x90: {  	s2 =	sld [smem:$0x3FC9]  }
0x91: {  	s19 =	sld [smem:$0x3FC8]  }
0x92: {  	s4 =	sld [smem:$0x3FD0];
	(tm) =	ssettm $0x1  }
0x93: {  	s5 =	sld [smem:$0x3FFB];
	_ =	sdelay $0x3  }
0x94: {  	_ =	strace s5  }
0x95: {  	s5 =	sld [smem:$0x3FFC];
	_ =	sdelay $0x3  }
0x96: {  	_ =	strace s5  }
0x97: {  	s5 =	sld [smem:$0x3FFD];
	_ =	sdelay $0x3  }
0x98: {  	_ =	strace s5  }
0x99: {  	_ =	strace $0x8FFFFFFF  }
0x9a: {  	s20 =	sld [smem:$0x3FDB];
	_ =	sdelay $0x1  }
0x9b: {  	s6 =	simm.s32 $_scs_section_size  }
0x9c: {  	s7 =	simm.s32 $_size__tile_overlayer_lowered;
	s8 =	simm.s32 $_tile_overlayer_lowered  }
0x9d: {  	s23 =	simm.s32 $0x1BFF;
	s22 =	sshll.u32 s8, $0x1;
	s5 =	sadd.s32 s6, s20  }
0x9e: {  	s9 =	simm.s32 $0x0;
	s21 =	sshll.u32 s7, $0x1;
	s7 =	sadd.s32 s22, s5  }
0x9f: {  	[timem:s9], [sflag:s23] =	dma.local [hbm:s7], s21  }
0xa0: {  	_ =	swait.ge [sflag:s23], s21  }
0xa1: {  	s6 =	ssub.s32 $0x0, s21;
	[sflag:s23] =	ssyncset.done $0x0  }
0xa2: {  	[sflag:s23] =	ssyncadd.s32 s6;
	_ =	sdelay $0x1  }
0xa3: {  	s24 =	simm.s32 $0x1B8B  }
0xa4: {  	_ =	swait.ge [sflag:s24], $0x1  }
0xa5: {  	[sflag:s24] =	ssyncset.done $0x0  }
0xa6: {  	s25 =	simm.s32 $0x1B8E;
	[sflag:s24] =	ssyncadd.s32 $0xFFFFFFFF  }
0xa7: {  	s26 =	simm.s32 $execute0_lowered;
	[smem:$0x3FD2] =	sst s25  }
0xa8: {  	s6 =	sshll.u32 s26, $0x1;
	_ =	strace $0x80000046;
	[dreg:$0x1] =	wrdreg $0xFFFFFFFF  }
0xa9: {  	s28 =	simm.s32 $_size_execute0_lowered;
	s5 =	sadd.s32 s5, s6;
	[dreg:$0x0] =	wrdreg $0x0  }
0xaa: {  	s6 =	sshll.u32 s28, $0x1;
	[dreg:$0x2] =	wrdreg s5  }
0xab: {  	[dreg:$0x3] =	wrdreg s6  }
0xac: {  	[dreg:$0x4] =	wrdreg $0xC0  }
0xad: {  	_ =	task [dreg:s9], $0x5FFFF  }
0xae: {  	[dreg:$0x1] =	wrdreg $0xFFFFFFFF  }
0xaf: {  	[dreg:$0x0] =	wrdreg $0x60  }
0xb0: {  	[dreg:$0x2] =	wrdreg s2  }
0xb1: {  	[dreg:$0x3] =	wrdreg s19  }
0xb2: {  	[dreg:$0x4] =	wrdreg s4  }
0xb3: {  	[dreg:$0x5] =	wrdreg $0x9  }
0xb4: {  	_ =	task.clear_ibuf [dreg:s9], $0x6FFFF;
	_ =	strace $0x90000046  }
0xb5: {  	s29 =	simm.s32 $0x9;
	_ =	strace $0x80000048  }
0xb6: {  	_ =	swait.ge [sflag:s29], $0x1  }
0xb7: {  	[sflag:s29] =	ssyncadd.s32 $0xFFFFFFFF  }
0xb8: {  	_ =	strace $0x90000048  }
0xb9: {  	_ =	sfence  }
0xba: {  	s30 =	sld [smem:$0x0];
	_ =	sdelay $0x2  }
0xbb: {  	s31 =	sshll.u32 s1, $0xD;
	s1 =	sshrl.u32 s1, $0x2  }
0xbc: {  	s3 =	sand.u32 $0x4000, s31;
	s1 =	sadd.s32 s1, s30  }
0xbd: {  	s0 =	sor.u32 s3, s0;
	s1 =	sshll.u32 s1, $0x11  }
0xbe: {  	s0 =	sor.u32 s1, s0  }
0xbf: {  	s0 =	sadd.s32 $0x8F2B, s0  }
0xc0: {  	[sflag:s0] =	ssyncadd.remote.s32 $0x1  }
0xc1: {  	_ =	sfence.sel $0xFFFF  }
0xc2: {  	[dreg:$0x0] =	wrdreg $0xFFFFFFFF;
	(pc) =	sbr.abs _section_cstart, $3  }
0xc3: {  	[dreg:$0x1] =	wrdreg $0xFFFFFFFF  }
0xc4: {  	_ =	task.clear_ibuf [dreg:s9], $0x2FFFF;
	_ =	strace $0x9FFFFFFF  }
0xc5: {  	(tm) =	ssettm $0x7FFFFFFF  }
tec
execute0_lowered:
.L_overlay_start_1:
0x0: {  	(tag) =	ssettag $0x1  }
0x1: {  	s0 =	rddreg [dreg:$0x0]  }
0x2: {  	s3 =	rddreg [dreg:$0x2]  }
0x3: {  	s1 =	srdreg.scid;
	s2 =	stileid.u32;
	s4 =	simm.s32 $0x0  }
0x4: {  	s14 =	simm.s32 $0x2400;
	s17 =	simm.s32 $0x1;
	s18 =	simm.s32 $0x9000  }
0x5: {  	s19 =	simm.s32 $0x2;
	s20 =	simm.s32 $0xD000;
	s21 =	simm.s32 $0x3  }
0x6: {  	s22 =	simm.s32 $0x4;
	s23 =	simm.s32 $0x0;
	s1 =	sand.u32 $0x1, s1  }
0x7: {  	s2 =	sshll.u32 s2, $0x1;
	[smem:$0x7FF] =	sst s4;
	s8 =	sadd.s32 $0x10000, s0  }
.Ltmp0:
0x8: {  	s6 =	ssub.s32 $0x2, s1;
	s5 =	sor.u32 s1, s2;
	(pc) =	sbr.rel .LBB2_1-.Ltmp0, $4  }
0x9: {  	s9 =	sadd.s32 $0x18000, s0;
	s31 =	sshrl.u32 s6, $0x1;
	s2 =	sshll.u32 s5, $0xA  }
0xa: {  	s10 =	sadd.s32 $0x1E8000, s3;
	s1 =	ssub.s32 s6, s31;
	s6 =	sadd.s32 s0, s2  }
0xb: {  	v0 =	vlaneseq.u32;
	_ =	strace $0x80000047;
	p0 =	sne.s32 s5, $0x0;
	s7 =	sadd.s32 $0x8000, s6  }
0xc: {  	v0 =	vmul.u32 $0x10, v0;
	s11 =	smax.u32 s1, $0x1;
	s12 =	sadd.s32 $0xF4280, s6;
	s13 =	sadd.s32 $0xFC280, s6  }
.LBB2_12:
0xd: {  	_ =	swait.ge [sflag:s21], $0x4000  }
0xe: {  	[sflag:s21] =	ssyncset.done $0x0  }
0xf: {  	[sflag:s21] =	ssyncadd.s32 $0xFFFFC000  }
0x10: {  	_ =	swait.ge [sflag:s22], $0x4000  }
0x11: {  	[sflag:s22] =	ssyncset.done $0x0  }
0x12: {  	[sflag:s22] =	ssyncadd.s32 $0xFFFFC000  }
0x13: {  	s0 =	simm.s32 @!p0 $0x0;
	s1 =	simm.s32 @!p0 $0x9000;
	s2 =	rddreg [dreg:$0x1]  }
0x14: {  	[tilespmem:s1], [sflag:$0x5] =	stream.linear.gather @!p0 [hbm4b:s2+s0], $0x2400, $0x38;
	[tilespmem:$0x11000] =	vst v63  }
0x15: {  	s2 =	simm.s32 @!p0 $0x5  }
0x16: {  	s23 =	sadd.s32 $0x1, s23;
	_ =	swait.ge @!p0 [sflag:s2], $0x2400  }
0x17: {  	p1 =	sne.s32 s23, s11;
	[sflag:s2] =	ssyncset.done @!p0 $0x0  }
.Ltmp1:
0x18: {  	[sflag:s2] =	ssyncadd.s32 @!p0 $0xFFFFDC00;
	(pc) =	sbr.rel @!p1 .LBB2_13-.Ltmp1, $4  }
0x19: {  	[hbm4b:s10+s0] =	stream.linear.scatter @!p0 [tilespmem:s1], [sflag:$0x5], $0x2400, $0x38;
	[tilespmem:$0x11000] =	vst v63  }
0x1a: {  	_ =	swait.ge @!p0 [sflag:s2], $0x2400  }
0x1b: {  	[sflag:s2] =	ssyncset.done @!p0 $0x0  }
0x1c: {  	[sflag:s2] =	ssyncadd.s32 @!p0 $0xFFFFDC00  }
.LBB2_1:
0x1d: {  	[tilespmem:s4], [sflag:$0x1] =	stream.linear.gather [hbm4b:s6+s4], $0x2000, $0x38;
	[tilespmem:$0x11000] =	vst v63  }
0x1e: {  	_ = 	snop  }
0x1f: {  	[tilespmem:s14], [sflag:$0x1] =	stream.linear.gather [hbm4b:s12+s4], $0x2000, $0x38;
	[tilespmem:$0x11000] =	vst v63  }
.Ltmp2:
0x20: {  	_ = 	snop;
	(pc) =	sbr.rel .LBB2_2-.Ltmp2, $4  }
0x21: {  	s0 =	simm.s32 $0x4800  }
0x22: {  	[tilespmem:s0], [sflag:$0x2] =	stream.linear.gather [hbm4b:s7+s4], $0x2000, $0x38;
	[tilespmem:$0x11000] =	vst v63  }
0x23: {  	s31 =	simm.s32 $0x6C00;
	s24 =	simm.s32 $0x0  }
0x24: {  	[tilespmem:s31], [sflag:$0x2] =	stream.linear.gather [hbm4b:s13+s4], $0x2000, $0x38;
	[tilespmem:$0x11000] =	vst v63  }
.LBB2_11:
0x25: {  	s24 =	sadd.s32 $0x1, s24  }
0x26: {  	p1 =	sne.s32 s24, $0x10  }
.Ltmp3:
0x27: {  	_ = 	snop;
	(pc) =	sbr.rel @!p1 .LBB2_12-.Ltmp3, $1  }
0x28: {  	_ =	sdelay $0x3  }
.LBB2_2:
0x29: {  	s0 =	sshll.u32 s24, $0x6  }
0x2a: {  	s25 =	sor.u32 s5, s0  }
0x2b: {  	p1 =	sgt.u32 s25, $0x3CF  }
.Ltmp4:
0x2c: {  	_ = 	snop;
	(pc) =	sbr.rel @p1 .LBB2_11-.Ltmp4, $1  }
0x2d: {  	_ =	sdelay $0x3  }
0x2e: {  	_ =	swait.ge [sflag:s17], $0x4000  }
0x2f: {  	p1 =	seq.s32 s24, $0x0;
	[sflag:s17] =	ssyncset.done $0x0  }
0x30: {  	s0 =	simm.s32 @!p1 $0x3;
	[sflag:s17] =	ssyncadd.s32 $0xFFFFC000  }
0x31: {  	s1 =	simm.s32 $0x0;
	_ =	swait.ge @!p1 [sflag:s0], $0x4000  }
0x32: {  	s2 =	sand.u32 $0x70, s1;
	s15 =	sand.u32 $0x1C00, s1;
	[sflag:s0] =	ssyncset.done @!p1 $0x0  }
0x33: {  	s15 =	sor.u32 s2, s15;
	[sflag:s0] =	ssyncadd.s32 @!p1 $0xFFFFC000  }
0x34: {  	v1 =	vld [tilespmem:s15+$0x80]  }
0x35: {  	v2 =	vld [tilespmem:s15+$0x0];
	_ =	sdelay $0x1  }
0x36: {  	v3 =	vld [tilespmem:s15+$0x100];
	_ =	sdelay $0x1  }
0x37: {  	v4 =	vld [tilespmem:s15+$0x180]  }
0x38: {  	v5 =	vmul.f32 v1, v1;
	v6 =	vmul.f32 v2, v2  }
0x39: {  	v7 =	vld [tilespmem:s15+$0x200]  }
0x3a: {  	v8 =	vmul.f32 v3, v3;
	v5 =	vadd.f32 v5, v6  }
0x3b: {  	v6 =	vld [tilespmem:s15+$0x280]  }
0x3c: {  	v9 =	vmul.f32 v4, v4;
	v5 =	vadd.f32 v8, v5  }
0x3d: {  	s1 =	sor.u32 s1, s1;
	v45 =	vld [tilespmem:s15+$0x300]  }
0x3e: {  	s1 =	sor.u32 $0x380, s1;
	v10 =	vmul.f32 v7, v7;
	v5 =	vadd.f32 v9, v5  }
0x3f: {  	v46 =	vld [tilespmem:s1+$0x0]  }
0x40: {  	v11 =	vmul.f32 v6, v6;
	v5 =	vadd.f32 v10, v5  }
0x41: {  	v47 =	vld [tilespmem:s15+$0x2400]  }
0x42: {  	v12 =	vmul.f32 v45, v45;
	v5 =	vadd.f32 v11, v5  }
0x43: {  	v48 =	vld [tilespmem:s15+$0x2480]  }
0x44: {  	v13 =	vmul.f32 v46, v46;
	v5 =	vadd.f32 v12, v5  }
0x45: {  	v49 =	vld [tilespmem:s15+$0x2500]  }
0x46: {  	v14 =	vmul.f32 v47, v47;
	v5 =	vadd.f32 v13, v5  }
0x47: {  	v50 =	vld [tilespmem:s15+$0x2580]  }
0x48: {  	v15 =	vmul.f32 v48, v48;
	v5 =	vadd.f32 v14, v5  }
0x49: {  	v51 =	vld [tilespmem:s15+$0x2600]  }
0x4a: {  	v16 =	vmul.f32 v49, v49;
	v5 =	vadd.f32 v15, v5  }
0x4b: {  	v52 =	vld [tilespmem:s15+$0x2680]  }
0x4c: {  	v17 =	vmul.f32 v50, v50;
	v5 =	vadd.f32 v16, v5  }
0x4d: {  	v53 =	vld [tilespmem:s15+$0x2700]  }
0x4e: {  	v18 =	vmul.f32 v51, v51;
	v5 =	vadd.f32 v17, v5  }
0x4f: {  	v54 =	vld [tilespmem:s15+$0x2780]  }
0x50: {  	v19 =	vmul.f32 v52, v52;
	v5 =	vadd.f32 v18, v5;
	_ =	sdelay $0x1  }
0x51: {  	v55 =	vmul.f32 v53, v53;
	v5 =	vadd.f32 v19, v5;
	_ =	sdelay $0x1  }
0x52: {  	v56 =	vmul.f32 v54, v54;
	v5 =	vadd.f32 v55, v5;
	_ =	sdelay $0x1  }
0x53: {  	v5 =	vadd.f32 v56, v5;
	_ =	sdelay $0x1  }
0x54: {  	v57 =	vshra.s32 v5, $0x1;
	v5 =	vmul.f32 $5.000000000e-01, v5  }
0x55: {  	v18 =	vsub.s32 $0x5F3759DF, v57  }
0x56: {  	v58 =	vmul.f32 v18, v5;
	_ =	sdelay $0x1  }
0x57: {  	v19 =	vmul.f32 v18, v58;
	_ =	sdelay $0x1  }
0x58: {  	v19 =	vsub.f32 $1.500000000e+00, v19;
	_ =	sdelay $0x1  }
0x59: {  	v18 =	vmul.f32 v18, v19;
	_ =	sdelay $0x1  }
0x5a: {  	v5 =	vmul.f32 v18, v5;
	_ =	sdelay $0x1  }
0x5b: {  	v5 =	vmul.f32 v5, v18;
	_ =	sdelay $0x1  }
0x5c: {  	v5 =	vsub.f32 $1.500000000e+00, v5  }
0x5d: {  	s16 =	simm.s32 $0x0  }
0x5e: {  	s26 =	simm.s32 $0x1;
	v59 =	vor.u32 s16, v0;
	v5 =	vmul.f32 v5, v18  }
0x5f: {  	v60 =	vor.u32 s26, v0;
	s1 =	simm.s32 $0x2  }
0x60: {  	s2 =	simm.s32 $0x3;
	v20 =	vor.u32 s1, v0;
	v5 =	vmin.f32 v5, $1.000000000e+00  }
0x61: {  	v21 =	vor.u32 s2, v0;
	s15 =	simm.s32 $0x4;
	v2 =	vmul.f32 v5, v2  }
0x62: {  	s16 =	simm.s32 $0x5;
	v22 =	vor.u32 s15, v0;
	v1 =	vmul.f32 v5, v1  }
0x63: {  	s26 =	simm.s32 $0x6;
	v23 =	vor.u32 s16, v0;
	v3 =	vmul.f32 v5, v3;
	[tilespmem:v59+s18+$0x0] =	vst.idx.msk $0xffff, v2  }
0x64: {  	s1 =	simm.s32 $0x7;
	v2 =	vmul.f32 v5, v4;
	v4 =	vor.u32 s26, v0;
	[tilespmem:v60+s18+$0x0] =	vst.idx.msk $0xffff, v1  }
0x65: {  	s2 =	simm.s32 $0x8;
	v1 =	vmul.f32 v5, v7;
	v7 =	vor.u32 s1, v0;
	[tilespmem:v20+s18+$0x0] =	vst.idx.msk $0xffff, v3  }
0x66: {  	s15 =	simm.s32 $0x9;
	v3 =	vmul.f32 v5, v6;
	v6 =	vor.u32 s2, v0;
	[tilespmem:v21+s18+$0x0] =	vst.idx.msk $0xffff, v2  }
0x67: {  	s16 =	simm.s32 $0xA;
	v61 =	vor.u32 s15, v0;
	v2 =	vmul.f32 v5, v45;
	[tilespmem:v22+s18+$0x0] =	vst.idx.msk $0xffff, v1  }
0x68: {  	v62 =	vor.u32 s16, v0;
	s26 =	simm.s32 $0xB;
	v1 =	vmul.f32 v5, v46;
	[tilespmem:v23+s18+$0x0] =	vst.idx.msk $0xffff, v3  }
0x69: {  	v63 =	vor.u32 s26, v0;
	s1 =	simm.s32 $0xC;
	v3 =	vmul.f32 v5, v47;
	[tilespmem:v4+s18+$0x0] =	vst.idx.msk $0xffff, v2  }
0x6a: {  	v2 =	vmul.f32 v5, v48;
	v4 =	vor.u32 s1, v0;
	[tilespmem:v7+s18+$0x0] =	vst.idx.msk $0xffff, v1  }
0x6b: {  	s2 =	simm.s32 $0xD;
	v1 =	vmul.f32 v5, v49;
	[tilespmem:v6+s18+$0x0] =	vst.idx.msk $0xffff, v3  }
0x6c: {  	v7 =	vor.u32 s2, v0;
	v3 =	vmul.f32 v5, v50;
	[tilespmem:v61+s18+$0x0] =	vst.idx.msk $0xffff, v2  }
0x6d: {  	s15 =	simm.s32 $0xE;
	v2 =	vmul.f32 v5, v51;
	[tilespmem:v62+s18+$0x0] =	vst.idx.msk $0xffff, v1  }
0x6e: {  	s16 =	simm.s32 $0xF;
	v1 =	vor.u32 s15, v0;
	[tilespmem:v63+s18+$0x0] =	vst.idx.msk $0xffff, v3  }
0x6f: {  	s29 =	simm.s32 $0x10;
	v6 =	vmul.f32 v5, v52;
	[tilespmem:v4+s18+$0x0] =	vst.idx.msk $0xffff, v2;
	v2 =	vor.u32 s16, v0  }
0x70: {  	s28 =	simm.s32 $0x10F;
	s30 =	simm.s32 $0x80;
	s31 =	sand.u32 $0x70, s29  }
0x71: {  	s0 =	simm.s32 $0x20F;
	s26 =	sor.u32 $0x20, s25;
	s1 =	simm.s32 $0x20;
	v3 =	vmul.f32 v5, v54;
	v4 =	vmul.f32 v5, v53;
	[tilespmem:v7+s18+$0x0] =	vst.idx.msk $0xffff, v6  }
.LBB2_4:
0x72: {  	s16 =	sand.u32 $0x70, s1  }
0x73: {  	p2 =	sne.s32 s0, $0x3F0F;
	s15 =	sand.u32 $0x1C00, s30;
	[tilespmem:v1+s18+$0x0] =	vst.idx.msk $0xffff, v4;
	s2 =	smov.u32 s0  }
0x74: {  	s0 =	sadd.s32 $0x100, s0;
	s15 =	sor.u32 s31, s15;
	[tilespmem:v2+s18+$0x0] =	vst.idx.msk $0xffff, v3;
	s31 =	smov.u32 s16  }
0x75: {  	v2 =	vld [tilespmem:s15+$0x80]  }
0x76: {  	v7 =	vld [tilespmem:s15+$0x0]  }
0x77: {  	v3 =	vld [tilespmem:s15+$0x100];
	_ =	sdelay $0x1  }
0x78: {  	v8 =	vld [tilespmem:s15+$0x180]  }
0x79: {  	v1 =	vmul.f32 v2, v2  }
0x7a: {  	v4 =	vmul.f32 v7, v7;
	v9 =	vld [tilespmem:s15+$0x200]  }
0x7b: {  	v5 =	vmul.f32 v3, v3  }
0x7c: {  	v4 =	vadd.f32 v1, v4;
	v1 =	vld [tilespmem:s15+$0x280]  }
0x7d: {  	v6 =	vmul.f32 v8, v8  }
0x7e: {  	s16 =	sor.u32 s30, s29;
	s29 =	smov.u32 s1;
	v4 =	vadd.f32 v5, v4;
	v10 =	vld [tilespmem:s15+$0x300]  }
0x7f: {  	s16 =	sor.u32 $0x380, s16;
	v5 =	vmul.f32 v9, v9  }
0x80: {  	v4 =	vadd.f32 v6, v4;
	v11 =	vld [tilespmem:s16+$0x0]  }
0x81: {  	v6 =	vmul.f32 v1, v1  }
0x82: {  	v4 =	vadd.f32 v5, v4;
	v12 =	vld [tilespmem:s15+$0x2400]  }
0x83: {  	v5 =	vmul.f32 v10, v10  }
0x84: {  	v6 =	vadd.f32 v6, v4;
	v4 =	vld [tilespmem:s15+$0x2480]  }
0x85: {  	v13 =	vmul.f32 v11, v11  }
0x86: {  	v6 =	vadd.f32 v5, v6;
	v5 =	vld [tilespmem:s15+$0x2500]  }
0x87: {  	v14 =	vmul.f32 v12, v12  }
0x88: {  	v13 =	vadd.f32 v13, v6;
	v6 =	vld [tilespmem:s15+$0x2580]  }
0x89: {  	v15 =	vmul.f32 v4, v4  }
0x8a: {  	v13 =	vadd.f32 v14, v13;
	v14 =	vld [tilespmem:s15+$0x2600]  }
0x8b: {  	v16 =	vmul.f32 v5, v5  }
0x8c: {  	v13 =	vadd.f32 v15, v13;
	v15 =	vld [tilespmem:s15+$0x2680]  }
0x8d: {  	v17 =	vmul.f32 v6, v6  }
0x8e: {  	v13 =	vadd.f32 v16, v13;
	v16 =	vld [tilespmem:s15+$0x2700]  }
0x8f: {  	v18 =	vmul.f32 v14, v14  }
0x90: {  	v13 =	vadd.f32 v17, v13;
	v17 =	vld [tilespmem:s15+$0x2780]  }
0x91: {  	v19 =	vmul.f32 v15, v15  }
0x92: {  	v13 =	vadd.f32 v18, v13  }
0x93: {  	v18 =	vmul.f32 v16, v16  }
0x94: {  	v13 =	vadd.f32 v19, v13  }
0x95: {  	v19 =	vmul.f32 v17, v17  }
0x96: {  	v13 =	vadd.f32 v18, v13;
	_ =	sdelay $0x1  }
0x97: {  	v13 =	vadd.f32 v19, v13;
	_ =	sdelay $0x1  }
0x98: {  	v18 =	vshra.s32 v13, $0x1;
	v13 =	vmul.f32 $5.000000000e-01, v13  }
0x99: {  	v18 =	vsub.s32 $0x5F3759DF, v18  }
0x9a: {  	v19 =	vmul.f32 v18, v13;
	_ =	sdelay $0x1  }
0x9b: {  	v19 =	vmul.f32 v18, v19;
	_ =	sdelay $0x1  }
0x9c: {  	v19 =	vsub.f32 $1.500000000e+00, v19;
	_ =	sdelay $0x1  }
0x9d: {  	v18 =	vmul.f32 v18, v19;
	_ =	sdelay $0x1  }
0x9e: {  	v13 =	vmul.f32 v18, v13;
	_ =	sdelay $0x1  }
0x9f: {  	v13 =	vmul.f32 v13, v18;
	_ =	sdelay $0x1  }
0xa0: {  	s15 =	sadd.s32 $0xFFFFFFF1, s28;
	v13 =	vsub.f32 $1.500000000e+00, v13  }
0xa1: {  	v19 =	vor.u32 s15, v0;
	s15 =	sadd.s32 $0xFFFFFFF2, s28  }
0xa2: {  	v13 =	vmul.f32 v13, v18;
	v18 =	vor.u32 s15, v0;
	s15 =	sadd.s32 $0xFFFFFFF3, s28  }
0xa3: {  	v20 =	vor.u32 s15, v0;
	s15 =	sadd.s32 $0xFFFFFFF4, s28  }
0xa4: {  	v13 =	vmin.f32 v13, $1.000000000e+00;
	v21 =	vor.u32 s15, v0;
	s15 =	sadd.s32 $0xFFFFFFF5, s28  }
0xa5: {  	v7 =	vmul.f32 v13, v7;
	v2 =	vmul.f32 v13, v2;
	v22 =	vor.u32 s15, v0;
	s15 =	sadd.s32 $0xFFFFFFF6, s28  }
0xa6: {  	v3 =	vmul.f32 v13, v3;
	v8 =	vmul.f32 v13, v8;
	v23 =	vor.u32 s15, v0;
	s15 =	sadd.s32 $0xFFFFFFF7, s28  }
0xa7: {  	v10 =	vmul.f32 v13, v10;
	[tilespmem:v19+s18+$0x0] =	vst.idx.msk $0xffff, v7;
	v7 =	vmul.f32 v13, v9;
	v9 =	vor.u32 s15, v0;
	s15 =	sadd.s32 $0xFFFFFFF8, s28  }
0xa8: {  	v11 =	vmul.f32 v13, v11;
	v12 =	vmul.f32 v13, v12;
	[tilespmem:v18+s18+$0x0] =	vst.idx.msk $0xffff, v2;
	v2 =	vor.u32 s15, v0;
	s15 =	sadd.s32 $0xFFFFFFF9, s28  }
0xa9: {  	v1 =	vmul.f32 v13, v1;
	v15 =	vmul.f32 v13, v15;
	[tilespmem:v20+s18+$0x0] =	vst.idx.msk $0xffff, v3;
	v3 =	vor.u32 s15, v0;
	s15 =	sadd.s32 $0xFFFFFFFA, s28  }
0xaa: {  	[tilespmem:v21+s18+$0x0] =	vst.idx.msk $0xffff, v8;
	v8 =	vor.u32 s15, v0;
	s15 =	sadd.s32 $0xFFFFFFFB, s28  }
0xab: {  	[tilespmem:v22+s18+$0x0] =	vst.idx.msk $0xffff, v7;
	v7 =	vor.u32 s15, v0;
	s15 =	sadd.s32 $0xFFFFFFFC, s28  }
0xac: {  	[tilespmem:v23+s18+$0x0] =	vst.idx.msk $0xffff, v1;
	v18 =	vor.u32 s15, v0;
	s15 =	sadd.s32 $0xFFFFFFFD, s28  }
0xad: {  	v4 =	vmul.f32 v13, v4;
	[tilespmem:v9+s18+$0x0] =	vst.idx.msk $0xffff, v10;
	v9 =	vor.u32 s15, v0;
	s15 =	sadd.s32 $0xFFFFFFFE, s28  }
0xae: {  	v5 =	vmul.f32 v13, v5;
	[tilespmem:v2+s18+$0x0] =	vst.idx.msk $0xffff, v11;
	v10 =	vor.u32 s15, v0;
	s15 =	sadd.s32 $0xFFFFFFFF, s28  }
0xaf: {  	[tilespmem:v3+s18+$0x0] =	vst.idx.msk $0xffff, v12;
	v3 =	vmul.f32 v13, v6;
	v1 =	vor.u32 s15, v0  }
.Ltmp5:
0xb0: {  	v2 =	vor.u32 s28, v0;
	s28 =	smov.u32 s2;
	v6 =	vmul.f32 v13, v14;
	[tilespmem:v8+s18+$0x0] =	vst.idx.msk $0xffff, v4;
	(pc) =	sbr.rel @p2 .LBB2_4-.Ltmp5, $4  }
0xb1: {  	[tilespmem:v7+s18+$0x0] =	vst.idx.msk $0xffff, v5  }
0xb2: {  	v4 =	vmul.f32 v13, v16;
	[tilespmem:v18+s18+$0x0] =	vst.idx.msk $0xffff, v3  }
0xb3: {  	v3 =	vmul.f32 v13, v17;
	[tilespmem:v9+s18+$0x0] =	vst.idx.msk $0xffff, v6  }
0xb4: {  	s1 =	sadd.s32 $0x10, s1;
	s30 =	sadd.s32 $0x80, s30;
	[tilespmem:v10+s18+$0x0] =	vst.idx.msk $0xffff, v15  }
0xb5: {  	_ =	sdelay $0x3  }
0xb6: {  	s0 =	sand.u32 $0x1C00, s30;
	[tilespmem:v1+s18+$0x0] =	vst.idx.msk $0xffff, v4  }
0xb7: {  	s0 =	sor.u32 s31, s0;
	[tilespmem:v2+s18+$0x0] =	vst.idx.msk $0xffff, v3  }
0xb8: {  	v1 =	vld [tilespmem:s0+$0x80]  }
0xb9: {  	v2 =	vld [tilespmem:s0+$0x0];
	_ =	sdelay $0x1  }
0xba: {  	v3 =	vld [tilespmem:s0+$0x100];
	_ =	sdelay $0x1  }
0xbb: {  	v4 =	vld [tilespmem:s0+$0x180]  }
0xbc: {  	v5 =	vmul.f32 v1, v1;
	v6 =	vmul.f32 v2, v2  }
0xbd: {  	v7 =	vld [tilespmem:s0+$0x200]  }
0xbe: {  	v8 =	vmul.f32 v3, v3;
	v5 =	vadd.f32 v5, v6  }
0xbf: {  	v37 =	vld [tilespmem:s0+$0x280]  }
0xc0: {  	v9 =	vmul.f32 v4, v4;
	v5 =	vadd.f32 v8, v5  }
0xc1: {  	s1 =	sor.u32 s30, s29;
	v38 =	vld [tilespmem:s0+$0x300]  }
0xc2: {  	s1 =	sor.u32 $0x380, s1;
	v10 =	vmul.f32 v7, v7;
	v5 =	vadd.f32 v9, v5  }
0xc3: {  	v39 =	vld [tilespmem:s1+$0x0]  }
0xc4: {  	v11 =	vmul.f32 v37, v37;
	v5 =	vadd.f32 v10, v5  }
0xc5: {  	v40 =	vld [tilespmem:s0+$0x2400]  }
0xc6: {  	v12 =	vmul.f32 v38, v38;
	v5 =	vadd.f32 v11, v5  }
0xc7: {  	v41 =	vld [tilespmem:s0+$0x2480]  }
0xc8: {  	v13 =	vmul.f32 v39, v39;
	v5 =	vadd.f32 v12, v5  }
0xc9: {  	v42 =	vld [tilespmem:s0+$0x2500]  }
0xca: {  	v14 =	vmul.f32 v40, v40;
	v5 =	vadd.f32 v13, v5  }
0xcb: {  	v43 =	vld [tilespmem:s0+$0x2580]  }
0xcc: {  	v15 =	vmul.f32 v41, v41;
	v5 =	vadd.f32 v14, v5  }
0xcd: {  	v44 =	vld [tilespmem:s0+$0x2600]  }
0xce: {  	v16 =	vmul.f32 v42, v42;
	v5 =	vadd.f32 v15, v5  }
0xcf: {  	v45 =	vld [tilespmem:s0+$0x2680]  }
0xd0: {  	v17 =	vmul.f32 v43, v43;
	v5 =	vadd.f32 v16, v5  }
0xd1: {  	v46 =	vld [tilespmem:s0+$0x2700]  }
0xd2: {  	v18 =	vmul.f32 v44, v44;
	v5 =	vadd.f32 v17, v5  }
0xd3: {  	v47 =	vld [tilespmem:s0+$0x2780]  }
0xd4: {  	v19 =	vmul.f32 v45, v45;
	v5 =	vadd.f32 v18, v5;
	_ =	sdelay $0x1  }
0xd5: {  	v48 =	vmul.f32 v46, v46;
	v5 =	vadd.f32 v19, v5;
	_ =	sdelay $0x1  }
0xd6: {  	v49 =	vmul.f32 v47, v47;
	v5 =	vadd.f32 v48, v5;
	_ =	sdelay $0x1  }
0xd7: {  	v5 =	vadd.f32 v49, v5;
	_ =	sdelay $0x1  }
0xd8: {  	v50 =	vshra.s32 v5, $0x1;
	v5 =	vmul.f32 $5.000000000e-01, v5  }
0xd9: {  	v18 =	vsub.s32 $0x5F3759DF, v50  }
0xda: {  	v51 =	vmul.f32 v18, v5;
	_ =	sdelay $0x1  }
0xdb: {  	v19 =	vmul.f32 v18, v51;
	_ =	sdelay $0x1  }
0xdc: {  	v19 =	vsub.f32 $1.500000000e+00, v19;
	_ =	sdelay $0x1  }
0xdd: {  	v18 =	vmul.f32 v18, v19;
	_ =	sdelay $0x1  }
0xde: {  	v5 =	vmul.f32 v18, v5;
	_ =	sdelay $0x1  }
0xdf: {  	v5 =	vmul.f32 v5, v18;
	_ =	sdelay $0x1  }
0xe0: {  	v5 =	vsub.f32 $1.500000000e+00, v5  }
0xe1: {  	s30 =	sadd.s32 $0xFFFFFFF1, s28  }
0xe2: {  	v52 =	vor.u32 s30, v0;
	s31 =	sadd.s32 $0xFFFFFFF2, s28;
	v5 =	vmul.f32 v5, v18  }
0xe3: {  	v53 =	vor.u32 s31, v0;
	s1 =	sadd.s32 $0xFFFFFFF3, s28  }
0xe4: {  	s2 =	sadd.s32 $0xFFFFFFF4, s28;
	v20 =	vor.u32 s1, v0;
	v5 =	vmin.f32 v5, $1.000000000e+00  }
0xe5: {  	s15 =	sadd.s32 $0xFFFFFFF5, s28;
	v21 =	vor.u32 s2, v0;
	v2 =	vmul.f32 v5, v2  }
0xe6: {  	s16 =	sadd.s32 $0xFFFFFFF6, s28;
	v22 =	vor.u32 s15, v0;
	v1 =	vmul.f32 v5, v1  }
0xe7: {  	s29 =	sadd.s32 $0xFFFFFFF7, s28;
	v23 =	vor.u32 s16, v0;
	v3 =	vmul.f32 v5, v3;
	[tilespmem:v52+s18+$0x0] =	vst.idx.msk $0xffff, v2  }
0xe8: {  	v54 =	vor.u32 s29, v0;
	s30 =	sadd.s32 $0xFFFFFFF8, s28;
	v2 =	vmul.f32 v5, v4;
	[tilespmem:v53+s18+$0x0] =	vst.idx.msk $0xffff, v1  }
0xe9: {  	v55 =	vor.u32 s30, v0;
	s31 =	sadd.s32 $0xFFFFFFF9, s28;
	v1 =	vmul.f32 v5, v7;
	[tilespmem:v20+s18+$0x0] =	vst.idx.msk $0xffff, v3  }
0xea: {  	v56 =	vor.u32 s31, v0;
	s1 =	sadd.s32 $0xFFFFFFFA, s28;
	v3 =	vmul.f32 v5, v37;
	[tilespmem:v21+s18+$0x0] =	vst.idx.msk $0xffff, v2  }
0xeb: {  	s2 =	sadd.s32 $0xFFFFFFFB, s28;
	v57 =	vor.u32 s1, v0;
	v2 =	vmul.f32 v5, v38;
	[tilespmem:v22+s18+$0x0] =	vst.idx.msk $0xffff, v1  }
0xec: {  	s15 =	sadd.s32 $0xFFFFFFFC, s28;
	v58 =	vor.u32 s2, v0;
	v1 =	vmul.f32 v5, v39;
	[tilespmem:v23+s18+$0x0] =	vst.idx.msk $0xffff, v3  }
0xed: {  	s16 =	sadd.s32 $0xFFFFFFFD, s28;
	v59 =	vor.u32 s15, v0;
	v3 =	vmul.f32 v5, v40;
	[tilespmem:v54+s18+$0x0] =	vst.idx.msk $0xffff, v2  }
0xee: {  	s29 =	sadd.s32 $0xFFFFFFFE, s28;
	v60 =	vor.u32 s16, v0;
	v2 =	vmul.f32 v5, v41;
	[tilespmem:v55+s18+$0x0] =	vst.idx.msk $0xffff, v1  }
0xef: {  	v61 =	vor.u32 s29, v0;
	s30 =	sadd.s32 $0xFFFFFFFF, s28;
	v1 =	vmul.f32 v5, v42;
	[tilespmem:v56+s18+$0x0] =	vst.idx.msk $0xffff, v3  }
0xf0: {  	v62 =	vor.u32 s30, v0;
	v3 =	vmul.f32 v5, v43;
	[tilespmem:v57+s18+$0x0] =	vst.idx.msk $0xffff, v2  }
0xf1: {  	v63 =	vor.u32 s28, v0;
	v2 =	vmul.f32 v5, v44;
	[tilespmem:v58+s18+$0x0] =	vst.idx.msk $0xffff, v1  }
0xf2: {  	p2 =	sgt.u32 s25, $0x38F;
	v1 =	vmul.f32 v5, v45;
	[tilespmem:v59+s18+$0x0] =	vst.idx.msk $0xffff, v3  }
.Ltmp6:
0xf3: {  	v3 =	vmul.f32 v5, v46;
	[tilespmem:v60+s18+$0x0] =	vst.idx.msk $0xffff, v2;
	(pc) =	sbr.rel @p2 .LBB2_7-.Ltmp6, $4  }
0xf4: {  	v2 =	vmul.f32 v5, v47;
	[tilespmem:v61+s18+$0x0] =	vst.idx.msk $0xffff, v1  }
0xf5: {  	s31 =	sshll.u32 s25, $0xB;
	[tilespmem:v62+s18+$0x0] =	vst.idx.msk $0xffff, v3  }
0xf6: {  	s0 =	sadd.s32 s3, s31;
	[tilespmem:v63+s18+$0x0] =	vst.idx.msk $0xffff, v2  }
0xf7: {  	[hbm4b:s0+s4] =	stream.linear.scatter [tilespmem:s18], [sflag:$0x3], $0x4000, $0x38;
	[tilespmem:$0x11000] =	vst v63  }
.Ltmp7:
0xf8: {  	s0 =	sshll.u32 s25, $0xA;
	(pc) =	sbr.rel .LBB2_8-.Ltmp7, $4  }
0xf9: {  	s0 =	sadd.s32 s0, s8  }
0xfa: {  	[tilespmem:s4], [sflag:$0x1] =	stream.linear.gather [hbm4b:s0+s4], $0x2000, $0x38;
	[tilespmem:$0x11000] =	vst v63  }
0xfb: {  	s0 =	sadd.s32 $0xF4280, s0  }
0xfc: {  	[tilespmem:s14], [sflag:$0x1] =	stream.linear.gather [hbm4b:s0+s4], $0x2000, $0x38;
	[tilespmem:$0x11000] =	vst v63  }
.LBB2_7:
0xfd: {  	p2 =	sgt.u32 s26, $0x3CF  }
.Ltmp8:
0xfe: {  	_ = 	snop;
	(pc) =	sbr.rel @p2 .LBB2_11-.Ltmp8, $1  }
0xff: {  	_ =	sdelay $0x3  }
.LBB2_8:
0x100: {  	_ =	swait.ge [sflag:s19], $0x4000  }
0x101: {  	[sflag:s19] =	ssyncset.done $0x0  }
0x102: {  	s0 =	simm.s32 @!p1 $0x4;
	[sflag:s19] =	ssyncadd.s32 $0xFFFFC000  }
0x103: {  	s1 =	simm.s32 $0x0;
	_ =	swait.ge @!p1 [sflag:s0], $0x4000  }
0x104: {  	s2 =	sand.u32 $0x70, s1;
	s15 =	sand.u32 $0x1C00, s1;
	[sflag:s0] =	ssyncset.done @!p1 $0x0  }
0x105: {  	s16 =	sor.u32 s2, s15;
	[sflag:s0] =	ssyncadd.s32 @!p1 $0xFFFFC000  }
0x106: {  	v1 =	vld [tilespmem:s16+$0x4880]  }
0x107: {  	v2 =	vld [tilespmem:s16+$0x4800];
	_ =	sdelay $0x1  }
0x108: {  	v3 =	vld [tilespmem:s16+$0x4900];
	_ =	sdelay $0x1  }
0x109: {  	v4 =	vld [tilespmem:s16+$0x4980]  }
0x10a: {  	v5 =	vmul.f32 v1, v1;
	v6 =	vmul.f32 v2, v2  }
0x10b: {  	v7 =	vld [tilespmem:s16+$0x4A00]  }
0x10c: {  	v8 =	vmul.f32 v3, v3;
	v5 =	vadd.f32 v5, v6  }
0x10d: {  	v6 =	vld [tilespmem:s16+$0x4A80]  }
0x10e: {  	v9 =	vmul.f32 v4, v4;
	v5 =	vadd.f32 v8, v5  }
0x10f: {  	s1 =	sor.u32 s1, s1;
	v45 =	vld [tilespmem:s16+$0x4B00]  }
0x110: {  	s1 =	sor.u32 $0x380, s1;
	v10 =	vmul.f32 v7, v7;
	v5 =	vadd.f32 v9, v5  }
0x111: {  	v46 =	vld [tilespmem:s1+$0x4800]  }
0x112: {  	v11 =	vmul.f32 v6, v6;
	v5 =	vadd.f32 v10, v5  }
0x113: {  	v47 =	vld [tilespmem:s16+$0x6C00]  }
0x114: {  	v12 =	vmul.f32 v45, v45;
	v5 =	vadd.f32 v11, v5  }
0x115: {  	v48 =	vld [tilespmem:s16+$0x6C80]  }
0x116: {  	v13 =	vmul.f32 v46, v46;
	v5 =	vadd.f32 v12, v5  }
0x117: {  	v49 =	vld [tilespmem:s16+$0x6D00]  }
0x118: {  	v14 =	vmul.f32 v47, v47;
	v5 =	vadd.f32 v13, v5  }
0x119: {  	v50 =	vld [tilespmem:s16+$0x6D80]  }
0x11a: {  	v15 =	vmul.f32 v48, v48;
	v5 =	vadd.f32 v14, v5  }
0x11b: {  	v51 =	vld [tilespmem:s16+$0x6E00]  }
0x11c: {  	v16 =	vmul.f32 v49, v49;
	v5 =	vadd.f32 v15, v5  }
0x11d: {  	v52 =	vld [tilespmem:s16+$0x6E80]  }
0x11e: {  	v17 =	vmul.f32 v50, v50;
	v5 =	vadd.f32 v16, v5  }
0x11f: {  	v53 =	vld [tilespmem:s16+$0x6F00]  }
0x120: {  	v18 =	vmul.f32 v51, v51;
	v5 =	vadd.f32 v17, v5  }
0x121: {  	v54 =	vld [tilespmem:s16+$0x6F80]  }
0x122: {  	v19 =	vmul.f32 v52, v52;
	v5 =	vadd.f32 v18, v5;
	_ =	sdelay $0x1  }
0x123: {  	v55 =	vmul.f32 v53, v53;
	v5 =	vadd.f32 v19, v5;
	_ =	sdelay $0x1  }
0x124: {  	v56 =	vmul.f32 v54, v54;
	v5 =	vadd.f32 v55, v5;
	_ =	sdelay $0x1  }
0x125: {  	v5 =	vadd.f32 v56, v5;
	_ =	sdelay $0x1  }
0x126: {  	v57 =	vshra.s32 v5, $0x1;
	v5 =	vmul.f32 $5.000000000e-01, v5  }
0x127: {  	v18 =	vsub.s32 $0x5F3759DF, v57  }
0x128: {  	v58 =	vmul.f32 v18, v5;
	_ =	sdelay $0x1  }
0x129: {  	v19 =	vmul.f32 v18, v58;
	_ =	sdelay $0x1  }
0x12a: {  	v19 =	vsub.f32 $1.500000000e+00, v19;
	_ =	sdelay $0x1  }
0x12b: {  	v18 =	vmul.f32 v18, v19;
	_ =	sdelay $0x1  }
0x12c: {  	v5 =	vmul.f32 v18, v5;
	_ =	sdelay $0x1  }
0x12d: {  	v5 =	vmul.f32 v5, v18;
	_ =	sdelay $0x1  }
0x12e: {  	v5 =	vsub.f32 $1.500000000e+00, v5  }
0x12f: {  	s1 =	simm.s32 $0x0  }
0x130: {  	s2 =	simm.s32 $0x1;
	v59 =	vor.u32 s1, v0;
	v5 =	vmul.f32 v5, v18  }
0x131: {  	s15 =	simm.s32 $0x2;
	v60 =	vor.u32 s2, v0  }
0x132: {  	v20 =	vor.u32 s15, v0;
	s16 =	simm.s32 $0x3;
	v5 =	vmin.f32 v5, $1.000000000e+00  }
0x133: {  	s1 =	simm.s32 $0x4;
	v21 =	vor.u32 s16, v0;
	v2 =	vmul.f32 v5, v2  }
0x134: {  	s2 =	simm.s32 $0x5;
	v22 =	vor.u32 s1, v0;
	v1 =	vmul.f32 v5, v1  }
0x135: {  	s15 =	simm.s32 $0x6;
	v23 =	vor.u32 s2, v0;
	v3 =	vmul.f32 v5, v3;
	[tilespmem:v59+s20+$0x0] =	vst.idx.msk $0xffff, v2  }
0x136: {  	s16 =	simm.s32 $0x7;
	v2 =	vmul.f32 v5, v4;
	v4 =	vor.u32 s15, v0;
	[tilespmem:v60+s20+$0x0] =	vst.idx.msk $0xffff, v1  }
0x137: {  	s1 =	simm.s32 $0x8;
	v1 =	vmul.f32 v5, v7;
	v7 =	vor.u32 s16, v0;
	[tilespmem:v20+s20+$0x0] =	vst.idx.msk $0xffff, v3  }
0x138: {  	s2 =	simm.s32 $0x9;
	v3 =	vmul.f32 v5, v6;
	v6 =	vor.u32 s1, v0;
	[tilespmem:v21+s20+$0x0] =	vst.idx.msk $0xffff, v2  }
0x139: {  	v61 =	vor.u32 s2, v0;
	s15 =	simm.s32 $0xA;
	v2 =	vmul.f32 v5, v45;
	[tilespmem:v22+s20+$0x0] =	vst.idx.msk $0xffff, v1  }
0x13a: {  	v62 =	vor.u32 s15, v0;
	s16 =	simm.s32 $0xB;
	v1 =	vmul.f32 v5, v46;
	[tilespmem:v23+s20+$0x0] =	vst.idx.msk $0xffff, v3  }
0x13b: {  	v63 =	vor.u32 s16, v0;
	s1 =	simm.s32 $0xC;
	v3 =	vmul.f32 v5, v47;
	[tilespmem:v4+s20+$0x0] =	vst.idx.msk $0xffff, v2  }
0x13c: {  	v2 =	vmul.f32 v5, v48;
	v4 =	vor.u32 s1, v0;
	[tilespmem:v7+s20+$0x0] =	vst.idx.msk $0xffff, v1  }
0x13d: {  	s2 =	simm.s32 $0xD;
	v1 =	vmul.f32 v5, v49;
	[tilespmem:v6+s20+$0x0] =	vst.idx.msk $0xffff, v3  }
0x13e: {  	v7 =	vor.u32 s2, v0;
	v3 =	vmul.f32 v5, v50;
	[tilespmem:v61+s20+$0x0] =	vst.idx.msk $0xffff, v2  }
0x13f: {  	s15 =	simm.s32 $0xE;
	v2 =	vmul.f32 v5, v51;
	[tilespmem:v62+s20+$0x0] =	vst.idx.msk $0xffff, v1  }
0x140: {  	s16 =	simm.s32 $0xF;
	v1 =	vor.u32 s15, v0;
	[tilespmem:v63+s20+$0x0] =	vst.idx.msk $0xffff, v3  }
0x141: {  	v6 =	vmul.f32 v5, v52;
	[tilespmem:v4+s20+$0x0] =	vst.idx.msk $0xffff, v2;
	v2 =	vor.u32 s16, v0  }
0x142: {  	s29 =	simm.s32 $0x10;
	s28 =	simm.s32 $0x10F;
	s30 =	simm.s32 $0x80  }
0x143: {  	s31 =	sand.u32 $0x70, s29;
	s0 =	simm.s32 $0x20F;
	s1 =	simm.s32 $0x20;
	v3 =	vmul.f32 v5, v54;
	v4 =	vmul.f32 v5, v53;
	[tilespmem:v7+s20+$0x0] =	vst.idx.msk $0xffff, v6  }
.LBB2_9:
0x144: {  	s16 =	sand.u32 $0x70, s1  }
0x145: {  	p1 =	sne.s32 s0, $0x3F0F;
	s15 =	sand.u32 $0x1C00, s30;
	[tilespmem:v1+s20+$0x0] =	vst.idx.msk $0xffff, v4;
	s2 =	smov.u32 s0  }
0x146: {  	s0 =	sadd.s32 $0x100, s0;
	s15 =	sor.u32 s31, s15;
	[tilespmem:v2+s20+$0x0] =	vst.idx.msk $0xffff, v3;
	s31 =	smov.u32 s16  }
0x147: {  	v2 =	vld [tilespmem:s15+$0x4880]  }
0x148: {  	v7 =	vld [tilespmem:s15+$0x4800]  }
0x149: {  	v3 =	vld [tilespmem:s15+$0x4900];
	_ =	sdelay $0x1  }
0x14a: {  	v8 =	vld [tilespmem:s15+$0x4980]  }
0x14b: {  	v1 =	vmul.f32 v2, v2  }
0x14c: {  	v4 =	vmul.f32 v7, v7;
	v9 =	vld [tilespmem:s15+$0x4A00]  }
0x14d: {  	v5 =	vmul.f32 v3, v3  }
0x14e: {  	v4 =	vadd.f32 v1, v4;
	v1 =	vld [tilespmem:s15+$0x4A80]  }
0x14f: {  	v6 =	vmul.f32 v8, v8  }
0x150: {  	s16 =	sor.u32 s30, s29;
	s29 =	smov.u32 s1;
	v4 =	vadd.f32 v5, v4;
	v10 =	vld [tilespmem:s15+$0x4B00]  }
0x151: {  	s16 =	sor.u32 $0x380, s16;
	v5 =	vmul.f32 v9, v9  }
0x152: {  	v4 =	vadd.f32 v6, v4;
	v11 =	vld [tilespmem:s16+$0x4800]  }
0x153: {  	v6 =	vmul.f32 v1, v1  }
0x154: {  	v4 =	vadd.f32 v5, v4;
	v12 =	vld [tilespmem:s15+$0x6C00]  }
0x155: {  	v5 =	vmul.f32 v10, v10  }
0x156: {  	v6 =	vadd.f32 v6, v4;
	v4 =	vld [tilespmem:s15+$0x6C80]  }
0x157: {  	v13 =	vmul.f32 v11, v11  }
0x158: {  	v6 =	vadd.f32 v5, v6;
	v5 =	vld [tilespmem:s15+$0x6D00]  }
0x159: {  	v14 =	vmul.f32 v12, v12  }
0x15a: {  	v13 =	vadd.f32 v13, v6;
	v6 =	vld [tilespmem:s15+$0x6D80]  }
0x15b: {  	v15 =	vmul.f32 v4, v4  }
0x15c: {  	v13 =	vadd.f32 v14, v13;
	v14 =	vld [tilespmem:s15+$0x6E00]  }
0x15d: {  	v16 =	vmul.f32 v5, v5  }
0x15e: {  	v13 =	vadd.f32 v15, v13;
	v15 =	vld [tilespmem:s15+$0x6E80]  }
0x15f: {  	v17 =	vmul.f32 v6, v6  }
0x160: {  	v13 =	vadd.f32 v16, v13;
	v16 =	vld [tilespmem:s15+$0x6F00]  }
0x161: {  	v18 =	vmul.f32 v14, v14  }
0x162: {  	v13 =	vadd.f32 v17, v13;
	v17 =	vld [tilespmem:s15+$0x6F80]  }
0x163: {  	v19 =	vmul.f32 v15, v15  }
0x164: {  	v13 =	vadd.f32 v18, v13  }
0x165: {  	v18 =	vmul.f32 v16, v16  }
0x166: {  	v13 =	vadd.f32 v19, v13  }
0x167: {  	v19 =	vmul.f32 v17, v17  }
0x168: {  	v13 =	vadd.f32 v18, v13;
	_ =	sdelay $0x1  }
0x169: {  	v13 =	vadd.f32 v19, v13;
	_ =	sdelay $0x1  }
0x16a: {  	v18 =	vshra.s32 v13, $0x1;
	v13 =	vmul.f32 $5.000000000e-01, v13  }
0x16b: {  	v18 =	vsub.s32 $0x5F3759DF, v18  }
0x16c: {  	v19 =	vmul.f32 v18, v13;
	_ =	sdelay $0x1  }
0x16d: {  	v19 =	vmul.f32 v18, v19;
	_ =	sdelay $0x1  }
0x16e: {  	v19 =	vsub.f32 $1.500000000e+00, v19;
	_ =	sdelay $0x1  }
0x16f: {  	v18 =	vmul.f32 v18, v19;
	_ =	sdelay $0x1  }
0x170: {  	v13 =	vmul.f32 v18, v13;
	_ =	sdelay $0x1  }
0x171: {  	v13 =	vmul.f32 v13, v18;
	_ =	sdelay $0x1  }
0x172: {  	s15 =	sadd.s32 $0xFFFFFFF1, s28;
	v13 =	vsub.f32 $1.500000000e+00, v13  }
0x173: {  	v19 =	vor.u32 s15, v0;
	s15 =	sadd.s32 $0xFFFFFFF2, s28  }
0x174: {  	v13 =	vmul.f32 v13, v18;
	v18 =	vor.u32 s15, v0;
	s15 =	sadd.s32 $0xFFFFFFF3, s28  }
0x175: {  	v20 =	vor.u32 s15, v0;
	s15 =	sadd.s32 $0xFFFFFFF4, s28  }
0x176: {  	v13 =	vmin.f32 v13, $1.000000000e+00;
	v21 =	vor.u32 s15, v0;
	s15 =	sadd.s32 $0xFFFFFFF5, s28  }
0x177: {  	v7 =	vmul.f32 v13, v7;
	v2 =	vmul.f32 v13, v2;
	v22 =	vor.u32 s15, v0;
	s15 =	sadd.s32 $0xFFFFFFF6, s28  }
0x178: {  	v3 =	vmul.f32 v13, v3;
	v8 =	vmul.f32 v13, v8;
	v23 =	vor.u32 s15, v0;
	s15 =	sadd.s32 $0xFFFFFFF7, s28  }
0x179: {  	v10 =	vmul.f32 v13, v10;
	[tilespmem:v19+s20+$0x0] =	vst.idx.msk $0xffff, v7;
	v7 =	vmul.f32 v13, v9;
	v9 =	vor.u32 s15, v0;
	s15 =	sadd.s32 $0xFFFFFFF8, s28  }
0x17a: {  	v11 =	vmul.f32 v13, v11;
	v12 =	vmul.f32 v13, v12;
	[tilespmem:v18+s20+$0x0] =	vst.idx.msk $0xffff, v2;
	v2 =	vor.u32 s15, v0;
	s15 =	sadd.s32 $0xFFFFFFF9, s28  }
0x17b: {  	v1 =	vmul.f32 v13, v1;
	v15 =	vmul.f32 v13, v15;
	[tilespmem:v20+s20+$0x0] =	vst.idx.msk $0xffff, v3;
	v3 =	vor.u32 s15, v0;
	s15 =	sadd.s32 $0xFFFFFFFA, s28  }
0x17c: {  	[tilespmem:v21+s20+$0x0] =	vst.idx.msk $0xffff, v8;
	v8 =	vor.u32 s15, v0;
	s15 =	sadd.s32 $0xFFFFFFFB, s28  }
0x17d: {  	[tilespmem:v22+s20+$0x0] =	vst.idx.msk $0xffff, v7;
	v7 =	vor.u32 s15, v0;
	s15 =	sadd.s32 $0xFFFFFFFC, s28  }
0x17e: {  	[tilespmem:v23+s20+$0x0] =	vst.idx.msk $0xffff, v1;
	v18 =	vor.u32 s15, v0;
	s15 =	sadd.s32 $0xFFFFFFFD, s28  }
0x17f: {  	v4 =	vmul.f32 v13, v4;
	[tilespmem:v9+s20+$0x0] =	vst.idx.msk $0xffff, v10;
	v9 =	vor.u32 s15, v0;
	s15 =	sadd.s32 $0xFFFFFFFE, s28  }
0x180: {  	v5 =	vmul.f32 v13, v5;
	[tilespmem:v2+s20+$0x0] =	vst.idx.msk $0xffff, v11;
	v10 =	vor.u32 s15, v0;
	s15 =	sadd.s32 $0xFFFFFFFF, s28  }
0x181: {  	[tilespmem:v3+s20+$0x0] =	vst.idx.msk $0xffff, v12;
	v3 =	vmul.f32 v13, v6;
	v1 =	vor.u32 s15, v0  }
.Ltmp9:
0x182: {  	v2 =	vor.u32 s28, v0;
	s28 =	smov.u32 s2;
	v6 =	vmul.f32 v13, v14;
	[tilespmem:v8+s20+$0x0] =	vst.idx.msk $0xffff, v4;
	(pc) =	sbr.rel @p1 .LBB2_9-.Ltmp9, $4  }
0x183: {  	[tilespmem:v7+s20+$0x0] =	vst.idx.msk $0xffff, v5  }
0x184: {  	v4 =	vmul.f32 v13, v16;
	[tilespmem:v18+s20+$0x0] =	vst.idx.msk $0xffff, v3  }
0x185: {  	v3 =	vmul.f32 v13, v17;
	[tilespmem:v9+s20+$0x0] =	vst.idx.msk $0xffff, v6  }
0x186: {  	s1 =	sadd.s32 $0x10, s1;
	s30 =	sadd.s32 $0x80, s30;
	[tilespmem:v10+s20+$0x0] =	vst.idx.msk $0xffff, v15  }
0x187: {  	_ =	sdelay $0x3  }
0x188: {  	s0 =	sand.u32 $0x1C00, s30;
	[tilespmem:v1+s20+$0x0] =	vst.idx.msk $0xffff, v4  }
0x189: {  	s0 =	sor.u32 s31, s0;
	[tilespmem:v2+s20+$0x0] =	vst.idx.msk $0xffff, v3  }
0x18a: {  	v1 =	vld [tilespmem:s0+$0x4880]  }
0x18b: {  	v2 =	vld [tilespmem:s0+$0x4800];
	_ =	sdelay $0x1  }
0x18c: {  	v3 =	vld [tilespmem:s0+$0x4900];
	_ =	sdelay $0x1  }
0x18d: {  	v4 =	vld [tilespmem:s0+$0x4980]  }
0x18e: {  	v5 =	vmul.f32 v1, v1;
	v6 =	vmul.f32 v2, v2  }
0x18f: {  	v7 =	vld [tilespmem:s0+$0x4A00]  }
0x190: {  	v8 =	vmul.f32 v3, v3;
	v5 =	vadd.f32 v5, v6  }
0x191: {  	v37 =	vld [tilespmem:s0+$0x4A80]  }
0x192: {  	v9 =	vmul.f32 v4, v4;
	v5 =	vadd.f32 v8, v5  }
0x193: {  	s1 =	sor.u32 s30, s29;
	v38 =	vld [tilespmem:s0+$0x4B00]  }
0x194: {  	s1 =	sor.u32 $0x380, s1;
	v10 =	vmul.f32 v7, v7;
	v5 =	vadd.f32 v9, v5  }
0x195: {  	v39 =	vld [tilespmem:s1+$0x4800]  }
0x196: {  	v11 =	vmul.f32 v37, v37;
	v5 =	vadd.f32 v10, v5  }
0x197: {  	v40 =	vld [tilespmem:s0+$0x6C00]  }
0x198: {  	v12 =	vmul.f32 v38, v38;
	v5 =	vadd.f32 v11, v5  }
0x199: {  	v41 =	vld [tilespmem:s0+$0x6C80]  }
0x19a: {  	v13 =	vmul.f32 v39, v39;
	v5 =	vadd.f32 v12, v5  }
0x19b: {  	v42 =	vld [tilespmem:s0+$0x6D00]  }
0x19c: {  	v14 =	vmul.f32 v40, v40;
	v5 =	vadd.f32 v13, v5  }
0x19d: {  	v43 =	vld [tilespmem:s0+$0x6D80]  }
0x19e: {  	v15 =	vmul.f32 v41, v41;
	v5 =	vadd.f32 v14, v5  }
0x19f: {  	v44 =	vld [tilespmem:s0+$0x6E00]  }
0x1a0: {  	v16 =	vmul.f32 v42, v42;
	v5 =	vadd.f32 v15, v5  }
0x1a1: {  	v45 =	vld [tilespmem:s0+$0x6E80]  }
0x1a2: {  	v17 =	vmul.f32 v43, v43;
	v5 =	vadd.f32 v16, v5  }
0x1a3: {  	v46 =	vld [tilespmem:s0+$0x6F00]  }
0x1a4: {  	v18 =	vmul.f32 v44, v44;
	v5 =	vadd.f32 v17, v5  }
0x1a5: {  	v47 =	vld [tilespmem:s0+$0x6F80]  }
0x1a6: {  	v19 =	vmul.f32 v45, v45;
	v5 =	vadd.f32 v18, v5;
	_ =	sdelay $0x1  }
0x1a7: {  	v48 =	vmul.f32 v46, v46;
	v5 =	vadd.f32 v19, v5;
	_ =	sdelay $0x1  }
0x1a8: {  	v49 =	vmul.f32 v47, v47;
	v5 =	vadd.f32 v48, v5;
	_ =	sdelay $0x1  }
0x1a9: {  	v5 =	vadd.f32 v49, v5;
	_ =	sdelay $0x1  }
0x1aa: {  	v50 =	vshra.s32 v5, $0x1;
	v5 =	vmul.f32 $5.000000000e-01, v5  }
0x1ab: {  	v18 =	vsub.s32 $0x5F3759DF, v50  }
0x1ac: {  	v51 =	vmul.f32 v18, v5;
	_ =	sdelay $0x1  }
0x1ad: {  	v19 =	vmul.f32 v18, v51;
	_ =	sdelay $0x1  }
0x1ae: {  	v19 =	vsub.f32 $1.500000000e+00, v19;
	_ =	sdelay $0x1  }
0x1af: {  	v18 =	vmul.f32 v18, v19;
	_ =	sdelay $0x1  }
0x1b0: {  	v5 =	vmul.f32 v18, v5;
	_ =	sdelay $0x1  }
0x1b1: {  	v5 =	vmul.f32 v5, v18;
	_ =	sdelay $0x1  }
0x1b2: {  	v5 =	vsub.f32 $1.500000000e+00, v5  }
0x1b3: {  	s30 =	sadd.s32 $0xFFFFFFF1, s28  }
0x1b4: {  	v52 =	vor.u32 s30, v0;
	s31 =	sadd.s32 $0xFFFFFFF2, s28;
	v5 =	vmul.f32 v5, v18  }
0x1b5: {  	v53 =	vor.u32 s31, v0;
	s1 =	sadd.s32 $0xFFFFFFF3, s28  }
0x1b6: {  	s2 =	sadd.s32 $0xFFFFFFF4, s28;
	v20 =	vor.u32 s1, v0;
	v5 =	vmin.f32 v5, $1.000000000e+00  }
0x1b7: {  	s15 =	sadd.s32 $0xFFFFFFF5, s28;
	v21 =	vor.u32 s2, v0;
	v2 =	vmul.f32 v5, v2  }
0x1b8: {  	s16 =	sadd.s32 $0xFFFFFFF6, s28;
	v22 =	vor.u32 s15, v0;
	v1 =	vmul.f32 v5, v1  }
0x1b9: {  	s29 =	sadd.s32 $0xFFFFFFF7, s28;
	v23 =	vor.u32 s16, v0;
	v3 =	vmul.f32 v5, v3;
	[tilespmem:v52+s20+$0x0] =	vst.idx.msk $0xffff, v2  }
0x1ba: {  	v54 =	vor.u32 s29, v0;
	s30 =	sadd.s32 $0xFFFFFFF8, s28;
	v2 =	vmul.f32 v5, v4;
	[tilespmem:v53+s20+$0x0] =	vst.idx.msk $0xffff, v1  }
0x1bb: {  	v55 =	vor.u32 s30, v0;
	s31 =	sadd.s32 $0xFFFFFFF9, s28;
	v1 =	vmul.f32 v5, v7;
	[tilespmem:v20+s20+$0x0] =	vst.idx.msk $0xffff, v3  }
0x1bc: {  	v56 =	vor.u32 s31, v0;
	s1 =	sadd.s32 $0xFFFFFFFA, s28;
	v3 =	vmul.f32 v5, v37;
	[tilespmem:v21+s20+$0x0] =	vst.idx.msk $0xffff, v2  }
0x1bd: {  	s2 =	sadd.s32 $0xFFFFFFFB, s28;
	v57 =	vor.u32 s1, v0;
	v2 =	vmul.f32 v5, v38;
	[tilespmem:v22+s20+$0x0] =	vst.idx.msk $0xffff, v1  }
0x1be: {  	s15 =	sadd.s32 $0xFFFFFFFC, s28;
	v58 =	vor.u32 s2, v0;
	v1 =	vmul.f32 v5, v39;
	[tilespmem:v23+s20+$0x0] =	vst.idx.msk $0xffff, v3  }
0x1bf: {  	s16 =	sadd.s32 $0xFFFFFFFD, s28;
	v59 =	vor.u32 s15, v0;
	v3 =	vmul.f32 v5, v40;
	[tilespmem:v54+s20+$0x0] =	vst.idx.msk $0xffff, v2  }
0x1c0: {  	s29 =	sadd.s32 $0xFFFFFFFE, s28;
	v60 =	vor.u32 s16, v0;
	v2 =	vmul.f32 v5, v41;
	[tilespmem:v55+s20+$0x0] =	vst.idx.msk $0xffff, v1  }
0x1c1: {  	v61 =	vor.u32 s29, v0;
	s30 =	sadd.s32 $0xFFFFFFFF, s28;
	v1 =	vmul.f32 v5, v42;
	[tilespmem:v56+s20+$0x0] =	vst.idx.msk $0xffff, v3  }
0x1c2: {  	v62 =	vor.u32 s30, v0;
	v3 =	vmul.f32 v5, v43;
	[tilespmem:v57+s20+$0x0] =	vst.idx.msk $0xffff, v2  }
0x1c3: {  	v63 =	vor.u32 s28, v0;
	v2 =	vmul.f32 v5, v44;
	[tilespmem:v58+s20+$0x0] =	vst.idx.msk $0xffff, v1  }
0x1c4: {  	v1 =	vmul.f32 v5, v45;
	[tilespmem:v59+s20+$0x0] =	vst.idx.msk $0xffff, v3  }
0x1c5: {  	v3 =	vmul.f32 v5, v46;
	[tilespmem:v60+s20+$0x0] =	vst.idx.msk $0xffff, v2  }
0x1c6: {  	v2 =	vmul.f32 v5, v47;
	[tilespmem:v61+s20+$0x0] =	vst.idx.msk $0xffff, v1  }
0x1c7: {  	s31 =	sshll.u32 s26, $0xB;
	[tilespmem:v62+s20+$0x0] =	vst.idx.msk $0xffff, v3  }
0x1c8: {  	p1 =	sgt.u32 s25, $0x36F;
	s0 =	sadd.s32 s3, s31;
	[tilespmem:v63+s20+$0x0] =	vst.idx.msk $0xffff, v2  }
0x1c9: {  	[hbm4b:s0+s4] =	stream.linear.scatter [tilespmem:s20], [sflag:$0x4], $0x4000, $0x38;
	[tilespmem:$0x11000] =	vst v63  }
.Ltmp10:
0x1ca: {  	s0 =	sshll.u32 @!p1 s25, $0xA;
	(pc) =	sbr.rel .LBB2_11-.Ltmp10, $4  }
0x1cb: {  	s2 =	simm.s32 @!p1 $0x4800;
	s1 =	simm.s32 @!p1 $0x0;
	s0 =	sadd.s32 @!p1 s0, s9  }
0x1cc: {  	[tilespmem:s2], [sflag:$0x2] =	stream.linear.gather @!p1 [hbm4b:s0+s1], $0x2000, $0x38;
	[tilespmem:$0x11000] =	vst v63  }
0x1cd: {  	s0 =	sadd.s32 @!p1 $0xF4280, s0;
	s2 =	simm.s32 @!p1 $0x6C00  }
0x1ce: {  	[tilespmem:s2], [sflag:$0x2] =	stream.linear.gather @!p1 [hbm4b:s0+s1], $0x2000, $0x38;
	[tilespmem:$0x11000] =	vst v63  }
.LBB2_13:
0x1cf: {  	_ =	sfence.sel $0x180000  }
0x1d0: {  	[bflag:$0x0] =	sbarrier.arrive $0xFFFF  }
0x1d1: {  	_ =	strace $0x90000047  }
0x1d2: {  	s0 =	stileid.u32;
	[bflag:$0x2] =	sbarrier.arrive $0xFFFF  }
0x1d3: {  	p0 =	sne.s32 s0, $0x0;
	s0 =	rddreg [dreg:$0x3]  }
0x1d4: {  	s0 =	sadd.s32 @!p0 $0x100000, s0  }
0x1d5: {  	[sflag:s0] =	ssyncadd.tile.s32 @!p0 $0x1;
	_ =	shalt  }
.Lfunc_end2:
_tile_overlayer_lowered:
.L_overlay_start_2:
0x1d6: {  	(tag) =	ssettag $0x2  }
0x1d7: {  	s0 =	rddreg [dreg:$0x0];
	s2 =	stileid.u32  }
0x1d8: {  	s1 =	rddreg [dreg:$0x1];
	p0 =	sne.s32 s2, $0x0  }
0x1d9: {  	s3 =	rddreg [dreg:$0x2];
	[bflag:$0x3] =	sbarrier.arrive $0xFFFF;
	s2 =	simm.s32 @!p0 $0x1C05  }
0x1da: {  	[timem:s3], [sflag:s2] =	dma.local @!p0 [hbm:s0], s1  }
0x1db: {  	s0 =	simm.s32 @!p0 $0x5  }
0x1dc: {  	_ =	swait.ge @!p0 [sflag:s0], s1  }
0x1dd: {  	s1 =	ssub.s32 @!p0 $0x0, s1;
	[sflag:s0] =	ssyncset.done @!p0 $0x0  }
0x1de: {  	[sflag:s0] =	ssyncadd.s32 @!p0 s1  }
0x1df: {  	[bflag:$0x3] =	sbarrier.arrive $0xFFFF  }
0x1e0: {  	_ =	shalt  }

</sc_bundles>
